<compile_context>
chip_gen: v7x
topology: tpu7x:2x2x1
jax: 0.10.2.dev20260603
libtpu: 0.0.44.dev20260713+nightly
codegen_flags: <defaults>
</compile_context>

<pallas_src>
import functools

import jax
import jax.numpy as jnp
from jax import lax
from jax.experimental import pallas as pl
from jax.experimental.pallas import tpu as pltpu
from jax.experimental.pallas import tpu_sc as plsc

N = 10000
IN_CH = 256
HID = 256
LAT = 64
E = 160000

NC = 2
NS = 16
NW = NC * NS
CH = 128
EP = 163840
CHUNKS = EP // (NW * CH)
NP = 10112
STRIPE = NP // NS
TRASH = 10048

@functools.lru_cache(maxsize=1)
def _sc_kernels():
    mesh = plsc.VectorSubcoreMesh(core_axis_name="c", subcore_axis_name="s",
                                  num_cores=NC, num_subcores=NS)

    @functools.partial(
        pl.kernel,
        out_type=[jax.ShapeDtypeStruct((NC, NP, 16), jnp.float32),
                  jax.ShapeDtypeStruct((NC, NP, 16), jnp.float32)],
        mesh=mesh,
        scratch_types=[
            pltpu.VMEM((CHUNKS, CH), jnp.int32),
            pltpu.VMEM((CH, 16), jnp.float32),
            pltpu.VMEM_SHARED((NP, 16), jnp.float32),
            pltpu.SemaphoreType.DMA,
        ],
    )
    def sc_degree(dst3_hbm, ones_hbm, outb_hbm, outa_hbm, idx_v, ones_v, acc, sem):
        c = lax.axis_index("c")
        s = lax.axis_index("s")
        wid = s * NC + c
        pltpu.sync_copy(acc.at[pl.ds(s * STRIPE, STRIPE)],
                        outb_hbm.at[c, pl.ds(s * STRIPE, STRIPE)])
        pltpu.sync_copy(ones_hbm, ones_v)
        pltpu.sync_copy(dst3_hbm.at[wid], idx_v)
        plsc.subcore_barrier()

        def body(j, carry):
            pltpu.sync_copy(ones_v, acc.at[idx_v.at[j]], add=True)
            return carry

        lax.fori_loop(0, CHUNKS, body, 0)
        plsc.subcore_barrier()
        pltpu.sync_copy(acc.at[pl.ds(s * STRIPE, STRIPE)],
                        outa_hbm.at[c, pl.ds(s * STRIPE, STRIPE)])

    @functools.partial(
        pl.kernel,
        out_type=[jax.ShapeDtypeStruct((NC, NP, 128), jnp.float32),
                  jax.ShapeDtypeStruct((NC, NP, 128), jnp.float32)],
        mesh=mesh,
        scratch_types=[
            pltpu.VMEM((CHUNKS, CH), jnp.int32),
            pltpu.VMEM((CHUNKS, CH), jnp.int32),
            pltpu.VMEM((CH, 128), jnp.float32),
            pltpu.VMEM_SHARED((NP, 128), jnp.float32),
            pltpu.SemaphoreType.DMA,
        ],
    )
    def sc_aggregate(h_hbm, src3_hbm, dst3_hbm, outb_hbm, outa_hbm,
                     src_v, dst_v, rows_v, acc, gsem):
        c = lax.axis_index("c")
        s = lax.axis_index("s")
        wid = s * NC + c
        pltpu.sync_copy(acc.at[pl.ds(s * STRIPE, STRIPE)],
                        outb_hbm.at[c, pl.ds(s * STRIPE, STRIPE)])
        pltpu.sync_copy(src3_hbm.at[wid], src_v)
        pltpu.sync_copy(dst3_hbm.at[wid], dst_v)
        plsc.subcore_barrier()

        def body(j, carry):
            pltpu.async_copy(h_hbm.at[src_v.at[j]], rows_v, gsem).wait()
            pltpu.sync_copy(rows_v, acc.at[dst_v.at[j]], add=True)
            return carry

        lax.fori_loop(0, CHUNKS, body, 0)
        plsc.subcore_barrier()
        pltpu.sync_copy(acc.at[pl.ds(s * STRIPE, STRIPE)],
                        outa_hbm.at[c, pl.ds(s * STRIPE, STRIPE)])

    return sc_degree, sc_aggregate


_R = 1000


def _prep_body(x_ref, w_ref, degb_ref, dega_ref, h0_ref, h1_ref):
    h = jnp.dot(x_ref[...], w_ref[...], preferred_element_type=jnp.float32)
    dsum = (dega_ref[0] - degb_ref[0]) + (dega_ref[1] - degb_ref[1])
    dinv = lax.rsqrt(dsum[:, 0:1] + 1.0)
    hs = h * dinv
    h0_ref[...] = hs[:, :128]
    h1_ref[...] = hs[:, 128:]


def _tc_prep(x, w_gcn, degb, dega):
    return pl.pallas_call(
        _prep_body,
        grid=(N // _R,),
        in_specs=[
            pl.BlockSpec((_R, IN_CH), lambda i: (i, 0)),
            pl.BlockSpec((IN_CH, HID), lambda i: (0, 0)),
            pl.BlockSpec((NC, _R, 16), lambda i: (0, i, 0)),
            pl.BlockSpec((NC, _R, 16), lambda i: (0, i, 0)),
        ],
        out_specs=[
            pl.BlockSpec((_R, 128), lambda i: (i, 0)),
            pl.BlockSpec((_R, 128), lambda i: (i, 0)),
        ],
        out_shape=[
            jax.ShapeDtypeStruct((N, 128), jnp.float32),
            jax.ShapeDtypeStruct((N, 128), jnp.float32),
        ],
    )(x, w_gcn, degb, dega)


def _enc_body(p0b_ref, p0a_ref, p1b_ref, p1a_ref, h0_ref, h1_ref, degb_ref,
              dega_ref, bg_ref, we_ref, be_ref, wd_ref, bd_ref, z_ref, xh_ref):
    dsum = (dega_ref[0] - degb_ref[0]) + (dega_ref[1] - degb_ref[1])
    dinv = lax.rsqrt(dsum[:, 0:1] + 1.0)
    pre0 = ((p0a_ref[0] - p0b_ref[0]) + (p0a_ref[1] - p0b_ref[1])
            + h0_ref[...]) * dinv
    pre1 = ((p1a_ref[0] - p1b_ref[0]) + (p1a_ref[1] - p1b_ref[1])
            + h1_ref[...]) * dinv
    pre = jnp.concatenate([pre0, pre1], axis=1) + bg_ref[...]
    z1 = jnp.maximum(pre, 0.0)
    z = jnp.dot(z1, we_ref[...], preferred_element_type=jnp.float32) + be_ref[...]
    z_ref[...] = z
    xh_ref[...] = jnp.dot(z, wd_ref[...], preferred_element_type=jnp.float32) + bd_ref[...]


def _tc_encode(p0b, p0a, p1b, p1a, h0, h1, degb, dega,
               b_gcn, w_enc, b_enc, w_dec, b_dec):
    return pl.pallas_call(
        _enc_body,
        grid=(N // _R,),
        in_specs=[
            pl.BlockSpec((NC, _R, 128), lambda i: (0, i, 0)),
            pl.BlockSpec((NC, _R, 128), lambda i: (0, i, 0)),
            pl.BlockSpec((NC, _R, 128), lambda i: (0, i, 0)),
            pl.BlockSpec((NC, _R, 128), lambda i: (0, i, 0)),
            pl.BlockSpec((_R, 128), lambda i: (i, 0)),
            pl.BlockSpec((_R, 128), lambda i: (i, 0)),
            pl.BlockSpec((NC, _R, 16), lambda i: (0, i, 0)),
            pl.BlockSpec((NC, _R, 16), lambda i: (0, i, 0)),
            pl.BlockSpec((1, HID), lambda i: (0, 0)),
            pl.BlockSpec((HID, LAT), lambda i: (0, 0)),
            pl.BlockSpec((1, LAT), lambda i: (0, 0)),
            pl.BlockSpec((LAT, IN_CH), lambda i: (0, 0)),
            pl.BlockSpec((1, IN_CH), lambda i: (0, 0)),
        ],
        out_specs=[
            pl.BlockSpec((_R, LAT), lambda i: (i, 0)),
            pl.BlockSpec((_R, IN_CH), lambda i: (i, 0)),
        ],
        out_shape=[
            jax.ShapeDtypeStruct((N, LAT), jnp.float32),
            jax.ShapeDtypeStruct((N, IN_CH), jnp.float32),
        ],
    )(p0b, p0a, p1b, p1a, h0, h1, degb, dega,
      b_gcn, w_enc, b_enc, w_dec, b_dec)


_B = 1024


def _gram_body(zi_ref, zj_ref, out_ref):
    g = lax.dot_general(zi_ref[...], zj_ref[...],
                        (((1,), (1,)), ((), ())),
                        preferred_element_type=jnp.float32)
    out_ref[...] = 1.0 / (1.0 + jnp.exp(-g))


def _tc_gram(z):
    nb = pl.cdiv(N, _B)
    return pl.pallas_call(
        _gram_body,
        grid=(nb, nb),
        in_specs=[
            pl.BlockSpec((_B, LAT), lambda i, j: (i, 0)),
            pl.BlockSpec((_B, LAT), lambda i, j: (j, 0)),
        ],
        out_specs=pl.BlockSpec((_B, _B), lambda i, j: (i, j)),
        out_shape=jax.ShapeDtypeStruct((N, N), jnp.float32),
    )(z, z)


def kernel(x, edge_index, W_gcn, b_gcn, W_enc, b_enc, W_dec, b_dec):
    src = edge_index[0]
    dst = edge_index[1]
    pad = EP - E
    src3 = jnp.concatenate([src, jnp.zeros((pad,), jnp.int32)]).reshape(NW, CHUNKS, CH)
    dst3 = jnp.concatenate([dst, jnp.full((pad,), TRASH, jnp.int32)]).reshape(NW, CHUNKS, CH)

    ones16 = jnp.ones((CH, 16), jnp.float32)

    sc_degree, sc_aggregate = _sc_kernels()
    degb, dega = sc_degree(dst3, ones16)
    h0, h1 = _tc_prep(x, W_gcn, degb, dega)
    p0b, p0a = sc_aggregate(h0, src3, dst3)
    p1b, p1a = sc_aggregate(h1, src3, dst3)
    z, x_hat = _tc_encode(p0b, p0a, p1b, p1a, h0, h1, degb, dega,
                          b_gcn.reshape(1, HID), W_enc, b_enc.reshape(1, LAT),
                          W_dec, b_dec.reshape(1, IN_CH))
    a_hat = _tc_gram(z)
    return (x_hat, a_hat)

# --- scband reference (transcript-rebuilt; emitter-appended) ---
"""Pipeline reference for scband-graph-auto-encoder-66305705116125 (READ-ONLY COPY).

The authoritative reference and input builder live on the scoring server;
editing this copy changes nothing except your own understanding.
"""

import jax, jax.numpy as jnp
import numpy as np

N = 10000
IN_CH = 256
HID = 256
LAT = 64
E = 160000


def setup_inputs(seed: int = 0) -> dict:
    key = jax.random.key(seed)
    ks = jax.random.split(key, 9)
    x = jax.random.normal(ks[0], (N, IN_CH), dtype=jnp.float32)
    edge_index = jax.random.randint(ks[1], (2, E), 0, N, dtype=jnp.int32)
    s_gcn = 1.0 / np.sqrt(IN_CH)
    s_enc = 1.0 / np.sqrt(HID)
    s_dec = 1.0 / np.sqrt(LAT)
    W_gcn = jax.random.uniform(ks[2], (IN_CH, HID), dtype=jnp.float32, minval=-s_gcn, maxval=s_gcn)
    b_gcn = jax.random.uniform(ks[3], (HID,), dtype=jnp.float32, minval=-s_gcn, maxval=s_gcn)
    W_enc = jax.random.uniform(ks[4], (HID, LAT), dtype=jnp.float32, minval=-s_enc, maxval=s_enc)
    b_enc = jax.random.uniform(ks[5], (LAT,), dtype=jnp.float32, minval=-s_enc, maxval=s_enc)
    W_dec = jax.random.uniform(ks[6], (LAT, IN_CH), dtype=jnp.float32, minval=-s_dec, maxval=s_dec)
    b_dec = jax.random.uniform(ks[7], (IN_CH,), dtype=jnp.float32, minval=-s_dec, maxval=s_dec)
    return {"x": x, "edge_index": edge_index, "W_gcn": W_gcn, "b_gcn": b_gcn,
            "W_enc": W_enc, "b_enc": b_enc, "W_dec": W_dec, "b_dec": b_dec}


def _gcn_conv(x, edge_index, W, b):
    n = x.shape[0]
    loop = jnp.arange(n, dtype=edge_index.dtype)
    src = jnp.concatenate([edge_index[0], loop])
    dst = jnp.concatenate([edge_index[1], loop])
    h = x @ W
    deg = jnp.zeros((n,), dtype=h.dtype).at[dst].add(1.0)
    dinv = jnp.where(deg > 0, jax.lax.rsqrt(deg), 0.0)
    norm = dinv[src] * dinv[dst]
    msg = h[src] * norm[:, None]
    out = jnp.zeros((n, h.shape[1]), dtype=h.dtype).at[dst].add(msg)
    return out + b


def reference(x, edge_index, W_gcn, b_gcn, W_enc, b_enc, W_dec, b_dec):
    # encode
    z = _gcn_conv(x, edge_index, W_gcn, b_gcn)
    z = jnp.maximum(z, 0.0)
    z = z @ W_enc + b_enc
    # decode
    x_hat = z @ W_dec + b_dec
    a_hat = jax.nn.sigmoid(z @ z.T)
    return (x_hat, a_hat)

if __name__ == "__main__":
    import jax
    _d = setup_inputs()
    print(jax.jit(kernel)(*tuple(_d.values())))

</pallas_src>

<mosaic_0001>
#map = affine_map<(d0, d1) -> (0, 0)>
#map1 = affine_map<(d0, d1) -> (0, 0, 0)>
module attributes {stable_mosaic.version = 14 : i64} {
  func.func @sc_aggregate(%arg0: i32, %arg1: i32, %arg2: memref<10000x128xf32, #tpu.memory_space<hbm>>, %arg3: memref<32x40x128xi32, #tpu.memory_space<hbm>>, %arg4: memref<32x40x128xi32, #tpu.memory_space<hbm>>, %arg5: memref<2x10112x128xf32, #tpu.memory_space<hbm>>, %arg6: memref<2x10112x128xf32, #tpu.memory_space<hbm>>, %arg7: memref<40x128xi32, #tpu.memory_space<vmem>>, %arg8: memref<40x128xi32, #tpu.memory_space<vmem>>, %arg9: memref<128x128xf32, #tpu.memory_space<vmem>>, %arg10: memref<10112x128xf32, #tpu.memory_space<vmem_shared>>, %arg11: memref<!tpu.dma_semaphore, #tpu.memory_space<semaphore_mem>>) attributes {dimension_semantics = [#tpu.dimension_semantics<core_parallel>, #tpu.dimension_semantics<subcore_parallel>], iteration_bounds = array<i64: 2, 16>, scalar_prefetch = 0 : i64, scratch_operands = 5 : i64, tpu.core_type = #tpu.core_type<sc_vector_subcore>, window_params = [{transform_indices = #map}, {transform_indices = #map1}, {transform_indices = #map1}, {transform_indices = #map1}, {transform_indices = #map1}]} {
    %mul3A = arith.constant 2 : i32
    %mul3A_0 = arith.muli %arg1, %mul3A : i32
    %add3A = arith.addi %mul3A_0, %arg0 : i32
    %mul3A_1 = arith.constant 632 : i32
    %mul3A_2 = arith.muli %arg1, %mul3A_1 : i32
    %mul3A_3 = arith.constant 632 : i32
    %mul3A_4 = arith.muli %arg1, %mul3A_3 : i32
    "tpu.region"() ({
      %run_scoped3A = tpu.sem_alloc : memref<!tpu.dma_semaphore, #tpu.memory_space<semaphore_mem>>
      %dma_start3A = arith.constant 0 : i32
      %dma_start3A_15 = tpu.memref_slice %arg5[%arg0, %mul3A_4, %dma_start3A] : memref<2x10112x128xf32, #tpu.memory_space<hbm>> -> memref<1x632x128xf32, #tpu.memory_space<hbm>>
      %dma_start3A_16 = tpu.memref_squeeze %dma_start3A_15 : memref<1x632x128xf32, #tpu.memory_space<hbm>> -> memref<632x128xf32, #tpu.memory_space<hbm>>
      %dma_start3A_17 = arith.constant 0 : i32
      %dma_start3A_18 = tpu.memref_slice %arg10[%mul3A_2, %dma_start3A_17] : memref<10112x128xf32, #tpu.memory_space<vmem_shared>> -> memref<632x128xf32, #tpu.memory_space<vmem_shared>>
      tpu.enqueue_dma source(%dma_start3A_18 : memref<632x128xf32, #tpu.memory_space<vmem_shared>>) target(%dma_start3A_16 : memref<632x128xf32, #tpu.memory_space<hbm>>) target_semaphore(%run_scoped3A : memref<!tpu.dma_semaphore, #tpu.memory_space<semaphore_mem>>)
      %dma_wait3A = arith.constant 0 : i32
      %dma_wait3A_19 = tpu.memref_slice %arg5[%arg0, %mul3A_4, %dma_wait3A] : memref<2x10112x128xf32, #tpu.memory_space<hbm>> -> memref<1x632x128xf32, #tpu.memory_space<hbm>>
      %dma_wait3A_20 = tpu.memref_squeeze %dma_wait3A_19 : memref<1x632x128xf32, #tpu.memory_space<hbm>> -> memref<632x128xf32, #tpu.memory_space<hbm>>
      %dma_wait3A_21 = arith.constant 0 : i32
      %dma_wait3A_22 = tpu.memref_slice %arg10[%mul3A_2, %dma_wait3A_21] : memref<10112x128xf32, #tpu.memory_space<vmem_shared>> -> memref<632x128xf32, #tpu.memory_space<vmem_shared>>
      tpu.wait_dma2 semaphore(%run_scoped3A : memref<!tpu.dma_semaphore, #tpu.memory_space<semaphore_mem>>) src(%dma_wait3A_22 : memref<632x128xf32, #tpu.memory_space<vmem_shared>>) dst(%dma_wait3A_20 : memref<632x128xf32, #tpu.memory_space<hbm>>)
      tpu.yield
    }) : () -> ()
    "tpu.region"() ({
      %run_scoped3A = tpu.sem_alloc : memref<!tpu.dma_semaphore, #tpu.memory_space<semaphore_mem>>
      %dma_start3A = arith.constant 0 : i32
      %dma_start3A_15 = arith.constant 0 : i32
      %dma_start3A_16 = tpu.memref_slice %arg3[%add3A, %dma_start3A, %dma_start3A_15] : memref<32x40x128xi32, #tpu.memory_space<hbm>> -> memref<1x40x128xi32, #tpu.memory_space<hbm>>
      %dma_start3A_17 = tpu.memref_squeeze %dma_start3A_16 : memref<1x40x128xi32, #tpu.memory_space<hbm>> -> memref<40x128xi32, #tpu.memory_space<hbm>>
      %dma_start3A_18 = arith.constant 0 : i32
      %dma_start3A_19 = arith.constant 0 : i32
      %dma_start3A_20 = tpu.memref_slice %arg3[%add3A, %dma_start3A_18, %dma_start3A_19] : memref<32x40x128xi32, #tpu.memory_space<hbm>> -> memref<1x40x128xi32, #tpu.memory_space<hbm>>
      %dma_start3A_21 = tpu.memref_squeeze %dma_start3A_20 : memref<1x40x128xi32, #tpu.memory_space<hbm>> -> memref<40x128xi32, #tpu.memory_space<hbm>>
      tpu.enqueue_dma source(%dma_start3A_21 : memref<40x128xi32, #tpu.memory_space<hbm>>) target(%arg7 : memref<40x128xi32, #tpu.memory_space<vmem>>) target_semaphore(%run_scoped3A : memref<!tpu.dma_semaphore, #tpu.memory_space<semaphore_mem>>)
      %dma_wait3A = arith.constant 0 : i32
      %dma_wait3A_22 = arith.constant 0 : i32
      %dma_wait3A_23 = tpu.memref_slice %arg3[%add3A, %dma_wait3A, %dma_wait3A_22] : memref<32x40x128xi32, #tpu.memory_space<hbm>> -> memref<1x40x128xi32, #tpu.memory_space<hbm>>
      %dma_wait3A_24 = tpu.memref_squeeze %dma_wait3A_23 : memref<1x40x128xi32, #tpu.memory_space<hbm>> -> memref<40x128xi32, #tpu.memory_space<hbm>>
      %dma_wait3A_25 = arith.constant 0 : i32
      %dma_wait3A_26 = arith.constant 0 : i32
      %dma_wait3A_27 = tpu.memref_slice %arg3[%add3A, %dma_wait3A_25, %dma_wait3A_26] : memref<32x40x128xi32, #tpu.memory_space<hbm>> -> memref<1x40x128xi32, #tpu.memory_space<hbm>>
      %dma_wait3A_28 = tpu.memref_squeeze %dma_wait3A_27 : memref<1x40x128xi32, #tpu.memory_space<hbm>> -> memref<40x128xi32, #tpu.memory_space<hbm>>
      tpu.wait_dma2 semaphore(%run_scoped3A : memref<!tpu.dma_semaphore, #tpu.memory_space<semaphore_mem>>) src(%dma_wait3A_28 : memref<40x128xi32, #tpu.memory_space<hbm>>) dst(%arg7 : memref<40x128xi32, #tpu.memory_space<vmem>>)
      tpu.yield
    }) : () -> ()
    "tpu.region"() ({
      %run_scoped3A = tpu.sem_alloc : memref<!tpu.dma_semaphore, #tpu.memory_space<semaphore_mem>>
      %dma_start3A = arith.constant 0 : i32
      %dma_start3A_15 = arith.constant 0 : i32
      %dma_start3A_16 = tpu.memref_slice %arg4[%add3A, %dma_start3A, %dma_start3A_15] : memref<32x40x128xi32, #tpu.memory_space<hbm>> -> memref<1x40x128xi32, #tpu.memory_space<hbm>>
      %dma_start3A_17 = tpu.memref_squeeze %dma_start3A_16 : memref<1x40x128xi32, #tpu.memory_space<hbm>> -> memref<40x128xi32, #tpu.memory_space<hbm>>
      %dma_start3A_18 = arith.constant 0 : i32
      %dma_start3A_19 = arith.constant 0 : i32
      %dma_start3A_20 = tpu.memref_slice %arg4[%add3A, %dma_start3A_18, %dma_start3A_19] : memref<32x40x128xi32, #tpu.memory_space<hbm>> -> memref<1x40x128xi32, #tpu.memory_space<hbm>>
      %dma_start3A_21 = tpu.memref_squeeze %dma_start3A_20 : memref<1x40x128xi32, #tpu.memory_space<hbm>> -> memref<40x128xi32, #tpu.memory_space<hbm>>
      tpu.enqueue_dma source(%dma_start3A_21 : memref<40x128xi32, #tpu.memory_space<hbm>>) target(%arg8 : memref<40x128xi32, #tpu.memory_space<vmem>>) target_semaphore(%run_scoped3A : memref<!tpu.dma_semaphore, #tpu.memory_space<semaphore_mem>>)
      %dma_wait3A = arith.constant 0 : i32
      %dma_wait3A_22 = arith.constant 0 : i32
      %dma_wait3A_23 = tpu.memref_slice %arg4[%add3A, %dma_wait3A, %dma_wait3A_22] : memref<32x40x128xi32, #tpu.memory_space<hbm>> -> memref<1x40x128xi32, #tpu.memory_space<hbm>>
      %dma_wait3A_24 = tpu.memref_squeeze %dma_wait3A_23 : memref<1x40x128xi32, #tpu.memory_space<hbm>> -> memref<40x128xi32, #tpu.memory_space<hbm>>
      %dma_wait3A_25 = arith.constant 0 : i32
      %dma_wait3A_26 = arith.constant 0 : i32
      %dma_wait3A_27 = tpu.memref_slice %arg4[%add3A, %dma_wait3A_25, %dma_wait3A_26] : memref<32x40x128xi32, #tpu.memory_space<hbm>> -> memref<1x40x128xi32, #tpu.memory_space<hbm>>
      %dma_wait3A_28 = tpu.memref_squeeze %dma_wait3A_27 : memref<1x40x128xi32, #tpu.memory_space<hbm>> -> memref<40x128xi32, #tpu.memory_space<hbm>>
      tpu.wait_dma2 semaphore(%run_scoped3A : memref<!tpu.dma_semaphore, #tpu.memory_space<semaphore_mem>>) src(%dma_wait3A_28 : memref<40x128xi32, #tpu.memory_space<hbm>>) dst(%arg8 : memref<40x128xi32, #tpu.memory_space<vmem>>)
      tpu.yield
    }) : () -> ()
    %barrier3A = arith.constant 0 : index
    tpu.barrier barrier_id(%barrier3A)
    %scan3A = arith.constant 0 : i32
    %scan3A_5 = arith.constant 0 : i32
    %scan3A_6 = arith.constant 40 : i32
    %scan3A_7 = arith.addi %scan3A_5, %scan3A_6 : i32
    %scan3A_8 = arith.constant 1 : i32
    scf.for %scan3A_15 = %scan3A_5 to %scan3A_7 step %scan3A_8  : i32 {
      %dma_start3A = arith.constant 0 : i32
      %dma_start3A_16 = tpu.memref_slice %arg7[%scan3A_15, %dma_start3A] : memref<40x128xi32, #tpu.memory_space<vmem>> -> memref<1x128xi32, #tpu.memory_space<vmem>>
      %dma_start3A_17 = tpu.memref_squeeze %dma_start3A_16 : memref<1x128xi32, #tpu.memory_space<vmem>> -> memref<128xi32, #tpu.memory_space<vmem>>
      %dma_start3A_18 = arith.constant 0 : i32
      %dma_start3A_19 = arith.constant 0 : i32
      %dma_start3A_20 = tpu.memref_slice %arg2[%dma_start3A_18, %dma_start3A_19] : memref<10000x128xf32, #tpu.memory_space<hbm>> -> memref<10000x128xf32, #tpu.memory_space<hbm>>
      tpu.enqueue_indirect_dma source(%dma_start3A_20 : memref<10000x128xf32, #tpu.memory_space<hbm>>) target(%arg9 : memref<128x128xf32, #tpu.memory_space<vmem>>) offsets(%dma_start3A_17 : memref<128xi32, #tpu.memory_space<vmem>>) semaphore(%arg11 : memref<!tpu.dma_semaphore, #tpu.memory_space<semaphore_mem>>)
      %dma_wait3A = arith.constant 0 : i32
      %dma_wait3A_21 = tpu.memref_slice %arg7[%scan3A_15, %dma_wait3A] : memref<40x128xi32, #tpu.memory_space<vmem>> -> memref<1x128xi32, #tpu.memory_space<vmem>>
      %dma_wait3A_22 = tpu.memref_squeeze %dma_wait3A_21 : memref<1x128xi32, #tpu.memory_space<vmem>> -> memref<128xi32, #tpu.memory_space<vmem>>
      %dma_wait3A_23 = arith.constant 0 : i32
      %dma_wait3A_24 = arith.constant 0 : i32
      %dma_wait3A_25 = tpu.memref_slice %arg2[%dma_wait3A_23, %dma_wait3A_24] : memref<10000x128xf32, #tpu.memory_space<hbm>> -> memref<10000x128xf32, #tpu.memory_space<hbm>>
      tpu.wait_indirect_dma semaphore(%arg11 : memref<!tpu.dma_semaphore, #tpu.memory_space<semaphore_mem>>) src(%dma_wait3A_25 : memref<10000x128xf32, #tpu.memory_space<hbm>>) dst(%arg9 : memref<128x128xf32, #tpu.memory_space<vmem>>)
      "tpu.region"() ({
        %run_scoped3A = tpu.sem_alloc : memref<!tpu.dma_semaphore, #tpu.memory_space<semaphore_mem>>
        %dma_start3A_26 = arith.constant 0 : i32
        %dma_start3A_27 = tpu.memref_slice %arg8[%scan3A_15, %dma_start3A_26] : memref<40x128xi32, #tpu.memory_space<vmem>> -> memref<1x128xi32, #tpu.memory_space<vmem>>
        %dma_start3A_28 = tpu.memref_squeeze %dma_start3A_27 : memref<1x128xi32, #tpu.memory_space<vmem>> -> memref<128xi32, #tpu.memory_space<vmem>>
        %dma_start3A_29 = arith.constant 0 : i32
        %dma_start3A_30 = arith.constant 0 : i32
        %dma_start3A_31 = tpu.memref_slice %arg10[%dma_start3A_29, %dma_start3A_30] : memref<10112x128xf32, #tpu.memory_space<vmem_shared>> -> memref<10112x128xf32, #tpu.memory_space<vmem_shared>>
        tpu.enqueue_indirect_dma source(%arg9 : memref<128x128xf32, #tpu.memory_space<vmem>>) target(%dma_start3A_31 : memref<10112x128xf32, #tpu.memory_space<vmem_shared>>) offsets(%dma_start3A_28 : memref<128xi32, #tpu.memory_space<vmem>>) semaphore(%run_scoped3A : memref<!tpu.dma_semaphore, #tpu.memory_space<semaphore_mem>>) {add = true}
        %dma_wait3A_32 = arith.constant 0 : i32
        %dma_wait3A_33 = tpu.memref_slice %arg8[%scan3A_15, %dma_wait3A_32] : memref<40x128xi32, #tpu.memory_space<vmem>> -> memref<1x128xi32, #tpu.memory_space<vmem>>
        %dma_wait3A_34 = tpu.memref_squeeze %dma_wait3A_33 : memref<1x128xi32, #tpu.memory_space<vmem>> -> memref<128xi32, #tpu.memory_space<vmem>>
        %dma_wait3A_35 = arith.constant 0 : i32
        %dma_wait3A_36 = arith.constant 0 : i32
        %dma_wait3A_37 = tpu.memref_slice %arg10[%dma_wait3A_35, %dma_wait3A_36] : memref<10112x128xf32, #tpu.memory_space<vmem_shared>> -> memref<10112x128xf32, #tpu.memory_space<vmem_shared>>
        tpu.wait_indirect_dma semaphore(%run_scoped3A : memref<!tpu.dma_semaphore, #tpu.memory_space<semaphore_mem>>) src(%arg9 : memref<128x128xf32, #tpu.memory_space<vmem>>) dst(%dma_wait3A_37 : memref<10112x128xf32, #tpu.memory_space<vmem_shared>>)
        tpu.yield
      }) : () -> ()
    }
    %scan3A_9 = arith.constant 40 : i32
    %barrier3A_10 = arith.constant 0 : index
    tpu.barrier barrier_id(%barrier3A_10)
    %mul3A_11 = arith.constant 632 : i32
    %mul3A_12 = arith.muli %arg1, %mul3A_11 : i32
    %mul3A_13 = arith.constant 632 : i32
    %mul3A_14 = arith.muli %arg1, %mul3A_13 : i32
    "tpu.region"() ({
      %run_scoped3A = tpu.sem_alloc : memref<!tpu.dma_semaphore, #tpu.memory_space<semaphore_mem>>
      %dma_start3A = arith.constant 0 : i32
      %dma_start3A_15 = tpu.memref_slice %arg6[%arg0, %mul3A_14, %dma_start3A] : memref<2x10112x128xf32, #tpu.memory_space<hbm>> -> memref<1x632x128xf32, #tpu.memory_space<hbm>>
      %dma_start3A_16 = tpu.memref_squeeze %dma_start3A_15 : memref<1x632x128xf32, #tpu.memory_space<hbm>> -> memref<632x128xf32, #tpu.memory_space<hbm>>
      %dma_start3A_17 = arith.constant 0 : i32
      %dma_start3A_18 = tpu.memref_slice %arg10[%mul3A_12, %dma_start3A_17] : memref<10112x128xf32, #tpu.memory_space<vmem_shared>> -> memref<632x128xf32, #tpu.memory_space<vmem_shared>>
      tpu.enqueue_dma source(%dma_start3A_18 : memref<632x128xf32, #tpu.memory_space<vmem_shared>>) target(%dma_start3A_16 : memref<632x128xf32, #tpu.memory_space<hbm>>) target_semaphore(%run_scoped3A : memref<!tpu.dma_semaphore, #tpu.memory_space<semaphore_mem>>)
      %dma_wait3A = arith.constant 0 : i32
      %dma_wait3A_19 = tpu.memref_slice %arg6[%arg0, %mul3A_14, %dma_wait3A] : memref<2x10112x128xf32, #tpu.memory_space<hbm>> -> memref<1x632x128xf32, #tpu.memory_space<hbm>>
      %dma_wait3A_20 = tpu.memref_squeeze %dma_wait3A_19 : memref<1x632x128xf32, #tpu.memory_space<hbm>> -> memref<632x128xf32, #tpu.memory_space<hbm>>
      %dma_wait3A_21 = arith.constant 0 : i32
      %dma_wait3A_22 = tpu.memref_slice %arg10[%mul3A_12, %dma_wait3A_21] : memref<10112x128xf32, #tpu.memory_space<vmem_shared>> -> memref<632x128xf32, #tpu.memory_space<vmem_shared>>
      tpu.wait_dma2 semaphore(%run_scoped3A : memref<!tpu.dma_semaphore, #tpu.memory_space<semaphore_mem>>) src(%dma_wait3A_22 : memref<632x128xf32, #tpu.memory_space<vmem_shared>>) dst(%dma_wait3A_20 : memref<632x128xf32, #tpu.memory_space<hbm>>)
      tpu.yield
    }) : () -> ()
    return
  }
}

#map = affine_map<(d0, d1) -> (0, 0, 0)>
#map1 = affine_map<(d0, d1) -> (0, 0)>
module attributes {stable_mosaic.version = 14 : i64} {
  func.func @sc_degree(%arg0: i32, %arg1: i32, %arg2: memref<32x40x128xi32, #tpu.memory_space<hbm>>, %arg3: memref<128x16xf32, #tpu.memory_space<hbm>>, %arg4: memref<2x10112x16xf32, #tpu.memory_space<hbm>>, %arg5: memref<2x10112x16xf32, #tpu.memory_space<hbm>>, %arg6: memref<40x128xi32, #tpu.memory_space<vmem>>, %arg7: memref<128x16xf32, #tpu.memory_space<vmem>>, %arg8: memref<10112x16xf32, #tpu.memory_space<vmem_shared>>, %arg9: memref<!tpu.dma_semaphore, #tpu.memory_space<semaphore_mem>>) attributes {dimension_semantics = [#tpu.dimension_semantics<core_parallel>, #tpu.dimension_semantics<subcore_parallel>], iteration_bounds = array<i64: 2, 16>, scalar_prefetch = 0 : i64, scratch_operands = 4 : i64, tpu.core_type = #tpu.core_type<sc_vector_subcore>, window_params = [{transform_indices = #map}, {transform_indices = #map1}, {transform_indices = #map}, {transform_indices = #map}]} {
    %mul3A = arith.constant 2 : i32
    %mul3A_0 = arith.muli %arg1, %mul3A : i32
    %add3A = arith.addi %mul3A_0, %arg0 : i32
    %mul3A_1 = arith.constant 632 : i32
    %mul3A_2 = arith.muli %arg1, %mul3A_1 : i32
    %mul3A_3 = arith.constant 632 : i32
    %mul3A_4 = arith.muli %arg1, %mul3A_3 : i32
    "tpu.region"() ({
      %run_scoped3A = tpu.sem_alloc : memref<!tpu.dma_semaphore, #tpu.memory_space<semaphore_mem>>
      %dma_start3A = arith.constant 0 : i32
      %dma_start3A_15 = tpu.memref_slice %arg4[%arg0, %mul3A_4, %dma_start3A] : memref<2x10112x16xf32, #tpu.memory_space<hbm>> -> memref<1x632x16xf32, #tpu.memory_space<hbm>>
      %dma_start3A_16 = tpu.memref_squeeze %dma_start3A_15 : memref<1x632x16xf32, #tpu.memory_space<hbm>> -> memref<632x16xf32, #tpu.memory_space<hbm>>
      %dma_start3A_17 = arith.constant 0 : i32
      %dma_start3A_18 = tpu.memref_slice %arg8[%mul3A_2, %dma_start3A_17] : memref<10112x16xf32, #tpu.memory_space<vmem_shared>> -> memref<632x16xf32, #tpu.memory_space<vmem_shared>>
      tpu.enqueue_dma source(%dma_start3A_18 : memref<632x16xf32, #tpu.memory_space<vmem_shared>>) target(%dma_start3A_16 : memref<632x16xf32, #tpu.memory_space<hbm>>) target_semaphore(%run_scoped3A : memref<!tpu.dma_semaphore, #tpu.memory_space<semaphore_mem>>)
      %dma_wait3A = arith.constant 0 : i32
      %dma_wait3A_19 = tpu.memref_slice %arg4[%arg0, %mul3A_4, %dma_wait3A] : memref<2x10112x16xf32, #tpu.memory_space<hbm>> -> memref<1x632x16xf32, #tpu.memory_space<hbm>>
      %dma_wait3A_20 = tpu.memref_squeeze %dma_wait3A_19 : memref<1x632x16xf32, #tpu.memory_space<hbm>> -> memref<632x16xf32, #tpu.memory_space<hbm>>
      %dma_wait3A_21 = arith.constant 0 : i32
      %dma_wait3A_22 = tpu.memref_slice %arg8[%mul3A_2, %dma_wait3A_21] : memref<10112x16xf32, #tpu.memory_space<vmem_shared>> -> memref<632x16xf32, #tpu.memory_space<vmem_shared>>
      tpu.wait_dma2 semaphore(%run_scoped3A : memref<!tpu.dma_semaphore, #tpu.memory_space<semaphore_mem>>) src(%dma_wait3A_22 : memref<632x16xf32, #tpu.memory_space<vmem_shared>>) dst(%dma_wait3A_20 : memref<632x16xf32, #tpu.memory_space<hbm>>)
      tpu.yield
    }) : () -> ()
    "tpu.region"() ({
      %run_scoped3A = tpu.sem_alloc : memref<!tpu.dma_semaphore, #tpu.memory_space<semaphore_mem>>
      tpu.enqueue_dma source(%arg3 : memref<128x16xf32, #tpu.memory_space<hbm>>) target(%arg7 : memref<128x16xf32, #tpu.memory_space<vmem>>) target_semaphore(%run_scoped3A : memref<!tpu.dma_semaphore, #tpu.memory_space<semaphore_mem>>)
      tpu.wait_dma2 semaphore(%run_scoped3A : memref<!tpu.dma_semaphore, #tpu.memory_space<semaphore_mem>>) src(%arg3 : memref<128x16xf32, #tpu.memory_space<hbm>>) dst(%arg7 : memref<128x16xf32, #tpu.memory_space<vmem>>)
      tpu.yield
    }) : () -> ()
    "tpu.region"() ({
      %run_scoped3A = tpu.sem_alloc : memref<!tpu.dma_semaphore, #tpu.memory_space<semaphore_mem>>
      %dma_start3A = arith.constant 0 : i32
      %dma_start3A_15 = arith.constant 0 : i32
      %dma_start3A_16 = tpu.memref_slice %arg2[%add3A, %dma_start3A, %dma_start3A_15] : memref<32x40x128xi32, #tpu.memory_space<hbm>> -> memref<1x40x128xi32, #tpu.memory_space<hbm>>
      %dma_start3A_17 = tpu.memref_squeeze %dma_start3A_16 : memref<1x40x128xi32, #tpu.memory_space<hbm>> -> memref<40x128xi32, #tpu.memory_space<hbm>>
      %dma_start3A_18 = arith.constant 0 : i32
      %dma_start3A_19 = arith.constant 0 : i32
      %dma_start3A_20 = tpu.memref_slice %arg2[%add3A, %dma_start3A_18, %dma_start3A_19] : memref<32x40x128xi32, #tpu.memory_space<hbm>> -> memref<1x40x128xi32, #tpu.memory_space<hbm>>
      %dma_start3A_21 = tpu.memref_squeeze %dma_start3A_20 : memref<1x40x128xi32, #tpu.memory_space<hbm>> -> memref<40x128xi32, #tpu.memory_space<hbm>>
      tpu.enqueue_dma source(%dma_start3A_21 : memref<40x128xi32, #tpu.memory_space<hbm>>) target(%arg6 : memref<40x128xi32, #tpu.memory_space<vmem>>) target_semaphore(%run_scoped3A : memref<!tpu.dma_semaphore, #tpu.memory_space<semaphore_mem>>)
      %dma_wait3A = arith.constant 0 : i32
      %dma_wait3A_22 = arith.constant 0 : i32
      %dma_wait3A_23 = tpu.memref_slice %arg2[%add3A, %dma_wait3A, %dma_wait3A_22] : memref<32x40x128xi32, #tpu.memory_space<hbm>> -> memref<1x40x128xi32, #tpu.memory_space<hbm>>
      %dma_wait3A_24 = tpu.memref_squeeze %dma_wait3A_23 : memref<1x40x128xi32, #tpu.memory_space<hbm>> -> memref<40x128xi32, #tpu.memory_space<hbm>>
      %dma_wait3A_25 = arith.constant 0 : i32
      %dma_wait3A_26 = arith.constant 0 : i32
      %dma_wait3A_27 = tpu.memref_slice %arg2[%add3A, %dma_wait3A_25, %dma_wait3A_26] : memref<32x40x128xi32, #tpu.memory_space<hbm>> -> memref<1x40x128xi32, #tpu.memory_space<hbm>>
      %dma_wait3A_28 = tpu.memref_squeeze %dma_wait3A_27 : memref<1x40x128xi32, #tpu.memory_space<hbm>> -> memref<40x128xi32, #tpu.memory_space<hbm>>
      tpu.wait_dma2 semaphore(%run_scoped3A : memref<!tpu.dma_semaphore, #tpu.memory_space<semaphore_mem>>) src(%dma_wait3A_28 : memref<40x128xi32, #tpu.memory_space<hbm>>) dst(%arg6 : memref<40x128xi32, #tpu.memory_space<vmem>>)
      tpu.yield
    }) : () -> ()
    %barrier3A = arith.constant 0 : index
    tpu.barrier barrier_id(%barrier3A)
    %scan3A = arith.constant 0 : i32
    %scan3A_5 = arith.constant 0 : i32
    %scan3A_6 = arith.constant 40 : i32
    %scan3A_7 = arith.addi %scan3A_5, %scan3A_6 : i32
    %scan3A_8 = arith.constant 1 : i32
    scf.for %scan3A_15 = %scan3A_5 to %scan3A_7 step %scan3A_8  : i32 {
      "tpu.region"() ({
        %run_scoped3A = tpu.sem_alloc : memref<!tpu.dma_semaphore, #tpu.memory_space<semaphore_mem>>
        %dma_start3A = arith.constant 0 : i32
        %dma_start3A_16 = tpu.memref_slice %arg6[%scan3A_15, %dma_start3A] : memref<40x128xi32, #tpu.memory_space<vmem>> -> memref<1x128xi32, #tpu.memory_space<vmem>>
        %dma_start3A_17 = tpu.memref_squeeze %dma_start3A_16 : memref<1x128xi32, #tpu.memory_space<vmem>> -> memref<128xi32, #tpu.memory_space<vmem>>
        %dma_start3A_18 = arith.constant 0 : i32
        %dma_start3A_19 = arith.constant 0 : i32
        %dma_start3A_20 = tpu.memref_slice %arg8[%dma_start3A_18, %dma_start3A_19] : memref<10112x16xf32, #tpu.memory_space<vmem_shared>> -> memref<10112x16xf32, #tpu.memory_space<vmem_shared>>
        tpu.enqueue_indirect_dma source(%arg7 : memref<128x16xf32, #tpu.memory_space<vmem>>) target(%dma_start3A_20 : memref<10112x16xf32, #tpu.memory_space<vmem_shared>>) offsets(%dma_start3A_17 : memref<128xi32, #tpu.memory_space<vmem>>) semaphore(%run_scoped3A : memref<!tpu.dma_semaphore, #tpu.memory_space<semaphore_mem>>) {add = true}
        %dma_wait3A = arith.constant 0 : i32
        %dma_wait3A_21 = tpu.memref_slice %arg6[%scan3A_15, %dma_wait3A] : memref<40x128xi32, #tpu.memory_space<vmem>> -> memref<1x128xi32, #tpu.memory_space<vmem>>
        %dma_wait3A_22 = tpu.memref_squeeze %dma_wait3A_21 : memref<1x128xi32, #tpu.memory_space<vmem>> -> memref<128xi32, #tpu.memory_space<vmem>>
        %dma_wait3A_23 = arith.constant 0 : i32
        %dma_wait3A_24 = arith.constant 0 : i32
        %dma_wait3A_25 = tpu.memref_slice %arg8[%dma_wait3A_23, %dma_wait3A_24] : memref<10112x16xf32, #tpu.memory_space<vmem_shared>> -> memref<10112x16xf32, #tpu.memory_space<vmem_shared>>
        tpu.wait_indirect_dma semaphore(%run_scoped3A : memref<!tpu.dma_semaphore, #tpu.memory_space<semaphore_mem>>) src(%arg7 : memref<128x16xf32, #tpu.memory_space<vmem>>) dst(%dma_wait3A_25 : memref<10112x16xf32, #tpu.memory_space<vmem_shared>>)
        tpu.yield
      }) : () -> ()
    }
    %scan3A_9 = arith.constant 40 : i32
    %barrier3A_10 = arith.constant 0 : index
    tpu.barrier barrier_id(%barrier3A_10)
    %mul3A_11 = arith.constant 632 : i32
    %mul3A_12 = arith.muli %arg1, %mul3A_11 : i32
    %mul3A_13 = arith.constant 632 : i32
    %mul3A_14 = arith.muli %arg1, %mul3A_13 : i32
    "tpu.region"() ({
      %run_scoped3A = tpu.sem_alloc : memref<!tpu.dma_semaphore, #tpu.memory_space<semaphore_mem>>
      %dma_start3A = arith.constant 0 : i32
      %dma_start3A_15 = tpu.memref_slice %arg5[%arg0, %mul3A_14, %dma_start3A] : memref<2x10112x16xf32, #tpu.memory_space<hbm>> -> memref<1x632x16xf32, #tpu.memory_space<hbm>>
      %dma_start3A_16 = tpu.memref_squeeze %dma_start3A_15 : memref<1x632x16xf32, #tpu.memory_space<hbm>> -> memref<632x16xf32, #tpu.memory_space<hbm>>
      %dma_start3A_17 = arith.constant 0 : i32
      %dma_start3A_18 = tpu.memref_slice %arg8[%mul3A_12, %dma_start3A_17] : memref<10112x16xf32, #tpu.memory_space<vmem_shared>> -> memref<632x16xf32, #tpu.memory_space<vmem_shared>>
      tpu.enqueue_dma source(%dma_start3A_18 : memref<632x16xf32, #tpu.memory_space<vmem_shared>>) target(%dma_start3A_16 : memref<632x16xf32, #tpu.memory_space<hbm>>) target_semaphore(%run_scoped3A : memref<!tpu.dma_semaphore, #tpu.memory_space<semaphore_mem>>)
      %dma_wait3A = arith.constant 0 : i32
      %dma_wait3A_19 = tpu.memref_slice %arg5[%arg0, %mul3A_14, %dma_wait3A] : memref<2x10112x16xf32, #tpu.memory_space<hbm>> -> memref<1x632x16xf32, #tpu.memory_space<hbm>>
      %dma_wait3A_20 = tpu.memref_squeeze %dma_wait3A_19 : memref<1x632x16xf32, #tpu.memory_space<hbm>> -> memref<632x16xf32, #tpu.memory_space<hbm>>
      %dma_wait3A_21 = arith.constant 0 : i32
      %dma_wait3A_22 = tpu.memref_slice %arg8[%mul3A_12, %dma_wait3A_21] : memref<10112x16xf32, #tpu.memory_space<vmem_shared>> -> memref<632x16xf32, #tpu.memory_space<vmem_shared>>
      tpu.wait_dma2 semaphore(%run_scoped3A : memref<!tpu.dma_semaphore, #tpu.memory_space<semaphore_mem>>) src(%dma_wait3A_22 : memref<632x16xf32, #tpu.memory_space<vmem_shared>>) dst(%dma_wait3A_20 : memref<632x16xf32, #tpu.memory_space<hbm>>)
      tpu.yield
    }) : () -> ()
    return
  }
}

#map = affine_map<(d0, d1) -> (0, 0)>
#map1 = affine_map<(d0, d1) -> (0, 0, 0)>
module attributes {stable_mosaic.version = 14 : i64} {
  func.func @sc_aggregate(%arg0: i32, %arg1: i32, %arg2: memref<10000x128xf32, #tpu.memory_space<hbm>>, %arg3: memref<32x40x128xi32, #tpu.memory_space<hbm>>, %arg4: memref<32x40x128xi32, #tpu.memory_space<hbm>>, %arg5: memref<2x10112x128xf32, #tpu.memory_space<hbm>>, %arg6: memref<2x10112x128xf32, #tpu.memory_space<hbm>>, %arg7: memref<40x128xi32, #tpu.memory_space<vmem>>, %arg8: memref<40x128xi32, #tpu.memory_space<vmem>>, %arg9: memref<128x128xf32, #tpu.memory_space<vmem>>, %arg10: memref<10112x128xf32, #tpu.memory_space<vmem_shared>>, %arg11: memref<!tpu.dma_semaphore, #tpu.memory_space<semaphore_mem>>) attributes {dimension_semantics = [#tpu.dimension_semantics<core_parallel>, #tpu.dimension_semantics<subcore_parallel>], iteration_bounds = array<i64: 2, 16>, scalar_prefetch = 0 : i64, scratch_operands = 5 : i64, tpu.core_type = #tpu.core_type<sc_vector_subcore>, window_params = [{transform_indices = #map}, {transform_indices = #map1}, {transform_indices = #map1}, {transform_indices = #map1}, {transform_indices = #map1}]} {
    %mul3A = arith.constant 2 : i32
    %mul3A_0 = arith.muli %arg1, %mul3A : i32
    %add3A = arith.addi %mul3A_0, %arg0 : i32
    %mul3A_1 = arith.constant 632 : i32
    %mul3A_2 = arith.muli %arg1, %mul3A_1 : i32
    %mul3A_3 = arith.constant 632 : i32
    %mul3A_4 = arith.muli %arg1, %mul3A_3 : i32
    "tpu.region"() ({
      %run_scoped3A = tpu.sem_alloc : memref<!tpu.dma_semaphore, #tpu.memory_space<semaphore_mem>>
      %dma_start3A = arith.constant 0 : i32
      %dma_start3A_15 = tpu.memref_slice %arg5[%arg0, %mul3A_4, %dma_start3A] : memref<2x10112x128xf32, #tpu.memory_space<hbm>> -> memref<1x632x128xf32, #tpu.memory_space<hbm>>
      %dma_start3A_16 = tpu.memref_squeeze %dma_start3A_15 : memref<1x632x128xf32, #tpu.memory_space<hbm>> -> memref<632x128xf32, #tpu.memory_space<hbm>>
      %dma_start3A_17 = arith.constant 0 : i32
      %dma_start3A_18 = tpu.memref_slice %arg10[%mul3A_2, %dma_start3A_17] : memref<10112x128xf32, #tpu.memory_space<vmem_shared>> -> memref<632x128xf32, #tpu.memory_space<vmem_shared>>
      tpu.enqueue_dma source(%dma_start3A_18 : memref<632x128xf32, #tpu.memory_space<vmem_shared>>) target(%dma_start3A_16 : memref<632x128xf32, #tpu.memory_space<hbm>>) target_semaphore(%run_scoped3A : memref<!tpu.dma_semaphore, #tpu.memory_space<semaphore_mem>>)
      %dma_wait3A = arith.constant 0 : i32
      %dma_wait3A_19 = tpu.memref_slice %arg5[%arg0, %mul3A_4, %dma_wait3A] : memref<2x10112x128xf32, #tpu.memory_space<hbm>> -> memref<1x632x128xf32, #tpu.memory_space<hbm>>
      %dma_wait3A_20 = tpu.memref_squeeze %dma_wait3A_19 : memref<1x632x128xf32, #tpu.memory_space<hbm>> -> memref<632x128xf32, #tpu.memory_space<hbm>>
      %dma_wait3A_21 = arith.constant 0 : i32
      %dma_wait3A_22 = tpu.memref_slice %arg10[%mul3A_2, %dma_wait3A_21] : memref<10112x128xf32, #tpu.memory_space<vmem_shared>> -> memref<632x128xf32, #tpu.memory_space<vmem_shared>>
      tpu.wait_dma2 semaphore(%run_scoped3A : memref<!tpu.dma_semaphore, #tpu.memory_space<semaphore_mem>>) src(%dma_wait3A_22 : memref<632x128xf32, #tpu.memory_space<vmem_shared>>) dst(%dma_wait3A_20 : memref<632x128xf32, #tpu.memory_space<hbm>>)
      tpu.yield
    }) : () -> ()
    "tpu.region"() ({
      %run_scoped3A = tpu.sem_alloc : memref<!tpu.dma_semaphore, #tpu.memory_space<semaphore_mem>>
      %dma_start3A = arith.constant 0 : i32
      %dma_start3A_15 = arith.constant 0 : i32
      %dma_start3A_16 = tpu.memref_slice %arg3[%add3A, %dma_start3A, %dma_start3A_15] : memref<32x40x128xi32, #tpu.memory_space<hbm>> -> memref<1x40x128xi32, #tpu.memory_space<hbm>>
      %dma_start3A_17 = tpu.memref_squeeze %dma_start3A_16 : memref<1x40x128xi32, #tpu.memory_space<hbm>> -> memref<40x128xi32, #tpu.memory_space<hbm>>
      %dma_start3A_18 = arith.constant 0 : i32
      %dma_start3A_19 = arith.constant 0 : i32
      %dma_start3A_20 = tpu.memref_slice %arg3[%add3A, %dma_start3A_18, %dma_start3A_19] : memref<32x40x128xi32, #tpu.memory_space<hbm>> -> memref<1x40x128xi32, #tpu.memory_space<hbm>>
      %dma_start3A_21 = tpu.memref_squeeze %dma_start3A_20 : memref<1x40x128xi32, #tpu.memory_space<hbm>> -> memref<40x128xi32, #tpu.memory_space<hbm>>
      tpu.enqueue_dma source(%dma_start3A_21 : memref<40x128xi32, #tpu.memory_space<hbm>>) target(%arg7 : memref<40x128xi32, #tpu.memory_space<vmem>>) target_semaphore(%run_scoped3A : memref<!tpu.dma_semaphore, #tpu.memory_space<semaphore_mem>>)
      %dma_wait3A = arith.constant 0 : i32
      %dma_wait3A_22 = arith.constant 0 : i32
      %dma_wait3A_23 = tpu.memref_slice %arg3[%add3A, %dma_wait3A, %dma_wait3A_22] : memref<32x40x128xi32, #tpu.memory_space<hbm>> -> memref<1x40x128xi32, #tpu.memory_space<hbm>>
      %dma_wait3A_24 = tpu.memref_squeeze %dma_wait3A_23 : memref<1x40x128xi32, #tpu.memory_space<hbm>> -> memref<40x128xi32, #tpu.memory_space<hbm>>
      %dma_wait3A_25 = arith.constant 0 : i32
      %dma_wait3A_26 = arith.constant 0 : i32
      %dma_wait3A_27 = tpu.memref_slice %arg3[%add3A, %dma_wait3A_25, %dma_wait3A_26] : memref<32x40x128xi32, #tpu.memory_space<hbm>> -> memref<1x40x128xi32, #tpu.memory_space<hbm>>
      %dma_wait3A_28 = tpu.memref_squeeze %dma_wait3A_27 : memref<1x40x128xi32, #tpu.memory_space<hbm>> -> memref<40x128xi32, #tpu.memory_space<hbm>>
      tpu.wait_dma2 semaphore(%run_scoped3A : memref<!tpu.dma_semaphore, #tpu.memory_space<semaphore_mem>>) src(%dma_wait3A_28 : memref<40x128xi32, #tpu.memory_space<hbm>>) dst(%arg7 : memref<40x128xi32, #tpu.memory_space<vmem>>)
      tpu.yield
    }) : () -> ()
    "tpu.region"() ({
      %run_scoped3A = tpu.sem_alloc : memref<!tpu.dma_semaphore, #tpu.memory_space<semaphore_mem>>
      %dma_start3A = arith.constant 0 : i32
      %dma_start3A_15 = arith.constant 0 : i32
      %dma_start3A_16 = tpu.memref_slice %arg4[%add3A, %dma_start3A, %dma_start3A_15] : memref<32x40x128xi32, #tpu.memory_space<hbm>> -> memref<1x40x128xi32, #tpu.memory_space<hbm>>
      %dma_start3A_17 = tpu.memref_squeeze %dma_start3A_16 : memref<1x40x128xi32, #tpu.memory_space<hbm>> -> memref<40x128xi32, #tpu.memory_space<hbm>>
      %dma_start3A_18 = arith.constant 0 : i32
      %dma_start3A_19 = arith.constant 0 : i32
      %dma_start3A_20 = tpu.memref_slice %arg4[%add3A, %dma_start3A_18, %dma_start3A_19] : memref<32x40x128xi32, #tpu.memory_space<hbm>> -> memref<1x40x128xi32, #tpu.memory_space<hbm>>
      %dma_start3A_21 = tpu.memref_squeeze %dma_start3A_20 : memref<1x40x128xi32, #tpu.memory_space<hbm>> -> memref<40x128xi32, #tpu.memory_space<hbm>>
      tpu.enqueue_dma source(%dma_start3A_21 : memref<40x128xi32, #tpu.memory_space<hbm>>) target(%arg8 : memref<40x128xi32, #tpu.memory_space<vmem>>) target_semaphore(%run_scoped3A : memref<!tpu.dma_semaphore, #tpu.memory_space<semaphore_mem>>)
      %dma_wait3A = arith.constant 0 : i32
      %dma_wait3A_22 = arith.constant 0 : i32
      %dma_wait3A_23 = tpu.memref_slice %arg4[%add3A, %dma_wait3A, %dma_wait3A_22] : memref<32x40x128xi32, #tpu.memory_space<hbm>> -> memref<1x40x128xi32, #tpu.memory_space<hbm>>
      %dma_wait3A_24 = tpu.memref_squeeze %dma_wait3A_23 : memref<1x40x128xi32, #tpu.memory_space<hbm>> -> memref<40x128xi32, #tpu.memory_space<hbm>>
      %dma_wait3A_25 = arith.constant 0 : i32
      %dma_wait3A_26 = arith.constant 0 : i32
      %dma_wait3A_27 = tpu.memref_slice %arg4[%add3A, %dma_wait3A_25, %dma_wait3A_26] : memref<32x40x128xi32, #tpu.memory_space<hbm>> -> memref<1x40x128xi32, #tpu.memory_space<hbm>>
      %dma_wait3A_28 = tpu.memref_squeeze %dma_wait3A_27 : memref<1x40x128xi32, #tpu.memory_space<hbm>> -> memref<40x128xi32, #tpu.memory_space<hbm>>
      tpu.wait_dma2 semaphore(%run_scoped3A : memref<!tpu.dma_semaphore, #tpu.memory_space<semaphore_mem>>) src(%dma_wait3A_28 : memref<40x128xi32, #tpu.memory_space<hbm>>) dst(%arg8 : memref<40x128xi32, #tpu.memory_space<vmem>>)
      tpu.yield
    }) : () -> ()
    %barrier3A = arith.constant 0 : index
    tpu.barrier barrier_id(%barrier3A)
    %scan3A = arith.constant 0 : i32
    %scan3A_5 = arith.constant 0 : i32
    %scan3A_6 = arith.constant 40 : i32
    %scan3A_7 = arith.addi %scan3A_5, %scan3A_6 : i32
    %scan3A_8 = arith.constant 1 : i32
    scf.for %scan3A_15 = %scan3A_5 to %scan3A_7 step %scan3A_8  : i32 {
      %dma_start3A = arith.constant 0 : i32
      %dma_start3A_16 = tpu.memref_slice %arg7[%scan3A_15, %dma_start3A] : memref<40x128xi32, #tpu.memory_space<vmem>> -> memref<1x128xi32, #tpu.memory_space<vmem>>
      %dma_start3A_17 = tpu.memref_squeeze %dma_start3A_16 : memref<1x128xi32, #tpu.memory_space<vmem>> -> memref<128xi32, #tpu.memory_space<vmem>>
      %dma_start3A_18 = arith.constant 0 : i32
      %dma_start3A_19 = arith.constant 0 : i32
      %dma_start3A_20 = tpu.memref_slice %arg2[%dma_start3A_18, %dma_start3A_19] : memref<10000x128xf32, #tpu.memory_space<hbm>> -> memref<10000x128xf32, #tpu.memory_space<hbm>>
      tpu.enqueue_indirect_dma source(%dma_start3A_20 : memref<10000x128xf32, #tpu.memory_space<hbm>>) target(%arg9 : memref<128x128xf32, #tpu.memory_space<vmem>>) offsets(%dma_start3A_17 : memref<128xi32, #tpu.memory_space<vmem>>) semaphore(%arg11 : memref<!tpu.dma_semaphore, #tpu.memory_space<semaphore_mem>>)
      %dma_wait3A = arith.constant 0 : i32
      %dma_wait3A_21 = tpu.memref_slice %arg7[%scan3A_15, %dma_wait3A] : memref<40x128xi32, #tpu.memory_space<vmem>> -> memref<1x128xi32, #tpu.memory_space<vmem>>
      %dma_wait3A_22 = tpu.memref_squeeze %dma_wait3A_21 : memref<1x128xi32, #tpu.memory_space<vmem>> -> memref<128xi32, #tpu.memory_space<vmem>>
      %dma_wait3A_23 = arith.constant 0 : i32
      %dma_wait3A_24 = arith.constant 0 : i32
      %dma_wait3A_25 = tpu.memref_slice %arg2[%dma_wait3A_23, %dma_wait3A_24] : memref<10000x128xf32, #tpu.memory_space<hbm>> -> memref<10000x128xf32, #tpu.memory_space<hbm>>
      tpu.wait_indirect_dma semaphore(%arg11 : memref<!tpu.dma_semaphore, #tpu.memory_space<semaphore_mem>>) src(%dma_wait3A_25 : memref<10000x128xf32, #tpu.memory_space<hbm>>) dst(%arg9 : memref<128x128xf32, #tpu.memory_space<vmem>>)
      "tpu.region"() ({
        %run_scoped3A = tpu.sem_alloc : memref<!tpu.dma_semaphore, #tpu.memory_space<semaphore_mem>>
        %dma_start3A_26 = arith.constant 0 : i32
        %dma_start3A_27 = tpu.memref_slice %arg8[%scan3A_15, %dma_start3A_26] : memref<40x128xi32, #tpu.memory_space<vmem>> -> memref<1x128xi32, #tpu.memory_space<vmem>>
        %dma_start3A_28 = tpu.memref_squeeze %dma_start3A_27 : memref<1x128xi32, #tpu.memory_space<vmem>> -> memref<128xi32, #tpu.memory_space<vmem>>
        %dma_start3A_29 = arith.constant 0 : i32
        %dma_start3A_30 = arith.constant 0 : i32
        %dma_start3A_31 = tpu.memref_slice %arg10[%dma_start3A_29, %dma_start3A_30] : memref<10112x128xf32, #tpu.memory_space<vmem_shared>> -> memref<10112x128xf32, #tpu.memory_space<vmem_shared>>
        tpu.enqueue_indirect_dma source(%arg9 : memref<128x128xf32, #tpu.memory_space<vmem>>) target(%dma_start3A_31 : memref<10112x128xf32, #tpu.memory_space<vmem_shared>>) offsets(%dma_start3A_28 : memref<128xi32, #tpu.memory_space<vmem>>) semaphore(%run_scoped3A : memref<!tpu.dma_semaphore, #tpu.memory_space<semaphore_mem>>) {add = true}
        %dma_wait3A_32 = arith.constant 0 : i32
        %dma_wait3A_33 = tpu.memref_slice %arg8[%scan3A_15, %dma_wait3A_32] : memref<40x128xi32, #tpu.memory_space<vmem>> -> memref<1x128xi32, #tpu.memory_space<vmem>>
        %dma_wait3A_34 = tpu.memref_squeeze %dma_wait3A_33 : memref<1x128xi32, #tpu.memory_space<vmem>> -> memref<128xi32, #tpu.memory_space<vmem>>
        %dma_wait3A_35 = arith.constant 0 : i32
        %dma_wait3A_36 = arith.constant 0 : i32
        %dma_wait3A_37 = tpu.memref_slice %arg10[%dma_wait3A_35, %dma_wait3A_36] : memref<10112x128xf32, #tpu.memory_space<vmem_shared>> -> memref<10112x128xf32, #tpu.memory_space<vmem_shared>>
        tpu.wait_indirect_dma semaphore(%run_scoped3A : memref<!tpu.dma_semaphore, #tpu.memory_space<semaphore_mem>>) src(%arg9 : memref<128x128xf32, #tpu.memory_space<vmem>>) dst(%dma_wait3A_37 : memref<10112x128xf32, #tpu.memory_space<vmem_shared>>)
        tpu.yield
      }) : () -> ()
    }
    %scan3A_9 = arith.constant 40 : i32
    %barrier3A_10 = arith.constant 0 : index
    tpu.barrier barrier_id(%barrier3A_10)
    %mul3A_11 = arith.constant 632 : i32
    %mul3A_12 = arith.muli %arg1, %mul3A_11 : i32
    %mul3A_13 = arith.constant 632 : i32
    %mul3A_14 = arith.muli %arg1, %mul3A_13 : i32
    "tpu.region"() ({
      %run_scoped3A = tpu.sem_alloc : memref<!tpu.dma_semaphore, #tpu.memory_space<semaphore_mem>>
      %dma_start3A = arith.constant 0 : i32
      %dma_start3A_15 = tpu.memref_slice %arg6[%arg0, %mul3A_14, %dma_start3A] : memref<2x10112x128xf32, #tpu.memory_space<hbm>> -> memref<1x632x128xf32, #tpu.memory_space<hbm>>
      %dma_start3A_16 = tpu.memref_squeeze %dma_start3A_15 : memref<1x632x128xf32, #tpu.memory_space<hbm>> -> memref<632x128xf32, #tpu.memory_space<hbm>>
      %dma_start3A_17 = arith.constant 0 : i32
      %dma_start3A_18 = tpu.memref_slice %arg10[%mul3A_12, %dma_start3A_17] : memref<10112x128xf32, #tpu.memory_space<vmem_shared>> -> memref<632x128xf32, #tpu.memory_space<vmem_shared>>
      tpu.enqueue_dma source(%dma_start3A_18 : memref<632x128xf32, #tpu.memory_space<vmem_shared>>) target(%dma_start3A_16 : memref<632x128xf32, #tpu.memory_space<hbm>>) target_semaphore(%run_scoped3A : memref<!tpu.dma_semaphore, #tpu.memory_space<semaphore_mem>>)
      %dma_wait3A = arith.constant 0 : i32
      %dma_wait3A_19 = tpu.memref_slice %arg6[%arg0, %mul3A_14, %dma_wait3A] : memref<2x10112x128xf32, #tpu.memory_space<hbm>> -> memref<1x632x128xf32, #tpu.memory_space<hbm>>
      %dma_wait3A_20 = tpu.memref_squeeze %dma_wait3A_19 : memref<1x632x128xf32, #tpu.memory_space<hbm>> -> memref<632x128xf32, #tpu.memory_space<hbm>>
      %dma_wait3A_21 = arith.constant 0 : i32
      %dma_wait3A_22 = tpu.memref_slice %arg10[%mul3A_12, %dma_wait3A_21] : memref<10112x128xf32, #tpu.memory_space<vmem_shared>> -> memref<632x128xf32, #tpu.memory_space<vmem_shared>>
      tpu.wait_dma2 semaphore(%run_scoped3A : memref<!tpu.dma_semaphore, #tpu.memory_space<semaphore_mem>>) src(%dma_wait3A_22 : memref<632x128xf32, #tpu.memory_space<vmem_shared>>) dst(%dma_wait3A_20 : memref<632x128xf32, #tpu.memory_space<hbm>>)
      tpu.yield
    }) : () -> ()
    return
  }
}

module attributes {stable_mosaic.version = 14 : i64} {
  func.func @_prep_body(%arg0: i32, %arg1: memref<1000x256xf32, #tpu.memory_space<vmem>>, %arg2: memref<256x256xf32, #tpu.memory_space<vmem>>, %arg3: memref<2x1000x16xf32, #tpu.memory_space<vmem>>, %arg4: memref<2x1000x16xf32, #tpu.memory_space<vmem>>, %arg5: memref<1000x128xf32, #tpu.memory_space<vmem>>, %arg6: memref<1000x128xf32, #tpu.memory_space<vmem>>) attributes {dimension_semantics = [#tpu.dimension_semantics<arbitrary>], iteration_bounds = array<i64: 10>, scalar_prefetch = 0 : i64, scratch_operands = 0 : i64, tpu.core_type = #tpu.core_type<tc>, window_params = [{transform_indices = @transform_0, window_bounds = array<i64: 1000, 256>}, {pipeline_mode = #tpu.pipeline_mode<synchronous>, transform_indices = @transform_1, window_bounds = array<i64: 256, 256>}, {transform_indices = @transform_2, window_bounds = array<i64: 2, 1000, 16>}, {transform_indices = @transform_3, window_bounds = array<i64: 2, 1000, 16>}, {transform_indices = @transform_4, window_bounds = array<i64: 1000, 128>}, {transform_indices = @transform_5, window_bounds = array<i64: 1000, 128>}]} {
    %get3A = arith.constant 0 : index
    %get3A_0 = arith.constant 0 : index
    %get3A_1 = vector.load %arg1[%get3A, %get3A_0] : memref<1000x256xf32, #tpu.memory_space<vmem>>, vector<1000x256xf32>
    %get3A_2 = arith.constant 0 : index
    %get3A_3 = arith.constant 0 : index
    %get3A_4 = vector.load %arg2[%get3A_2, %get3A_3] : memref<256x256xf32, #tpu.memory_space<vmem>>, vector<256x256xf32>
    %dot_general3A = arith.constant dense<0.000000e+00> : vector<1000x256xf32>
    %dot_general3A_5 = tpu.matmul %get3A_1, %get3A_4, %dot_general3A {dimension_numbers = #tpu.dot_dimension_numbers<[1], [0], [0], [1], [0, 0, 1, 1], [], []>, transpose_lhs_hint = false} : vector<1000x256xf32>, vector<256x256xf32>, vector<1000x256xf32> -> vector<1000x256xf32>
    %get3A_6 = arith.constant 0 : index
    %get3A_7 = arith.constant 0 : index
    %get3A_8 = arith.constant 0 : index
    %get3A_9 = vector.load %arg4[%get3A_6, %get3A_7, %get3A_8] : memref<2x1000x16xf32, #tpu.memory_space<vmem>>, vector<1x1000x16xf32>
    %get3A_10 = vector.shape_cast %get3A_9 : vector<1x1000x16xf32> to vector<1000x16xf32>
    %get3A_11 = arith.constant 0 : index
    %get3A_12 = arith.constant 0 : index
    %get3A_13 = arith.constant 0 : index
    %get3A_14 = vector.load %arg3[%get3A_11, %get3A_12, %get3A_13] : memref<2x1000x16xf32, #tpu.memory_space<vmem>>, vector<1x1000x16xf32>
    %get3A_15 = vector.shape_cast %get3A_14 : vector<1x1000x16xf32> to vector<1000x16xf32>
    %sub3A = arith.subf %get3A_10, %get3A_15 : vector<1000x16xf32>
    %get3A_16 = arith.constant 1 : index
    %get3A_17 = arith.constant 0 : index
    %get3A_18 = arith.constant 0 : index
    %get3A_19 = vector.load %arg4[%get3A_16, %get3A_17, %get3A_18] : memref<2x1000x16xf32, #tpu.memory_space<vmem>>, vector<1x1000x16xf32>
    %get3A_20 = vector.shape_cast %get3A_19 : vector<1x1000x16xf32> to vector<1000x16xf32>
    %get3A_21 = arith.constant 1 : index
    %get3A_22 = arith.constant 0 : index
    %get3A_23 = arith.constant 0 : index
    %get3A_24 = vector.load %arg3[%get3A_21, %get3A_22, %get3A_23] : memref<2x1000x16xf32, #tpu.memory_space<vmem>>, vector<1x1000x16xf32>
    %get3A_25 = vector.shape_cast %get3A_24 : vector<1x1000x16xf32> to vector<1000x16xf32>
    %sub3A_26 = arith.subf %get3A_20, %get3A_25 : vector<1000x16xf32>
    %add3A = arith.addf %sub3A, %sub3A_26 : vector<1000x16xf32>
    %slice3A = vector.extract_strided_slice %add3A {offsets = [0, 0], sizes = [1000, 1], strides = [1, 1]} : vector<1000x16xf32> to vector<1000x1xf32>
    %add3A_27 = arith.constant 1.000000e+00 : f32
    %add3A_28 = vector.broadcast %add3A_27 : f32 to vector<1000x1xf32>
    %add3A_29 = arith.addf %slice3A, %add3A_28 : vector<1000x1xf32>
    %rsqrt3A = math.rsqrt %add3A_29 : vector<1000x1xf32>
    %mul3A = vector.broadcast %rsqrt3A : vector<1000x1xf32> to vector<1000x256xf32>
    %mul3A_30 = arith.mulf %dot_general3A_5, %mul3A : vector<1000x256xf32>
    %slice3A_31 = vector.extract_strided_slice %mul3A_30 {offsets = [0, 0], sizes = [1000, 128], strides = [1, 1]} : vector<1000x256xf32> to vector<1000x128xf32>
    %swap3A = arith.constant 0 : index
    %swap3A_32 = arith.constant 0 : index
    %swap3A_33 = vector.load %arg5[%swap3A, %swap3A_32] : memref<1000x128xf32, #tpu.memory_space<vmem>>, vector<1000x128xf32>
    tpu.vector_store %arg5[%swap3A, %swap3A_32], %slice3A_31 {strides = array<i32>} : memref<1000x128xf32, #tpu.memory_space<vmem>>, vector<1000x128xf32>,
    %slice3A_34 = vector.extract_strided_slice %mul3A_30 {offsets = [0, 128], sizes = [1000, 128], strides = [1, 1]} : vector<1000x256xf32> to vector<1000x128xf32>
    %swap3A_35 = arith.constant 0 : index
    %swap3A_36 = arith.constant 0 : index
    %swap3A_37 = vector.load %arg6[%swap3A_35, %swap3A_36] : memref<1000x128xf32, #tpu.memory_space<vmem>>, vector<1000x128xf32>
    tpu.vector_store %arg6[%swap3A_35, %swap3A_36], %slice3A_34 {strides = array<i32>} : memref<1000x128xf32, #tpu.memory_space<vmem>>, vector<1000x128xf32>,
    return
  }
  func.func @transform_0(%arg0: i32) -> (i32, i32) {
    %c0_i32 = arith.constant 0 : i32
    %c0_i32_0 = arith.constant 0 : i32
    return %arg0, %c0_i32 : i32, i32
  }
  func.func @transform_1(%arg0: i32) -> (i32, i32) {
    %c0_i32 = arith.constant 0 : i32
    %c0_i32_0 = arith.constant 0 : i32
    %c0_i32_1 = arith.constant 0 : i32
    return %c0_i32, %c0_i32_0 : i32, i32
  }
  func.func @transform_2(%arg0: i32) -> (i32, i32, i32) {
    %c0_i32 = arith.constant 0 : i32
    %c0_i32_0 = arith.constant 0 : i32
    %c0_i32_1 = arith.constant 0 : i32
    return %c0_i32, %arg0, %c0_i32_0 : i32, i32, i32
  }
  func.func @transform_3(%arg0: i32) -> (i32, i32, i32) {
    %c0_i32 = arith.constant 0 : i32
    %c0_i32_0 = arith.constant 0 : i32
    %c0_i32_1 = arith.constant 0 : i32
    return %c0_i32, %arg0, %c0_i32_0 : i32, i32, i32
  }
  func.func @transform_4(%arg0: i32) -> (i32, i32) {
    %c0_i32 = arith.constant 0 : i32
    %c0_i32_0 = arith.constant 0 : i32
    return %arg0, %c0_i32 : i32, i32
  }
  func.func @transform_5(%arg0: i32) -> (i32, i32) {
    %c0_i32 = arith.constant 0 : i32
    %c0_i32_0 = arith.constant 0 : i32
    return %arg0, %c0_i32 : i32, i32
  }
}

module attributes {stable_mosaic.version = 14 : i64} {
  func.func @_gram_body(%arg0: i32, %arg1: i32, %arg2: memref<1024x64xf32, #tpu.memory_space<vmem>>, %arg3: memref<1024x64xf32, #tpu.memory_space<vmem>>, %arg4: memref<1024x1024xf32, #tpu.memory_space<vmem>>) attributes {dimension_semantics = [#tpu.dimension_semantics<arbitrary>, #tpu.dimension_semantics<arbitrary>], iteration_bounds = array<i64: 10, 10>, scalar_prefetch = 0 : i64, scratch_operands = 0 : i64, tpu.core_type = #tpu.core_type<tc>, window_params = [{transform_indices = @transform_0, window_bounds = array<i64: 1024, 64>}, {transform_indices = @transform_1, window_bounds = array<i64: 1024, 64>}, {transform_indices = @transform_2, window_bounds = array<i64: 1024, 1024>}]} {
    %get3A = arith.constant 0 : index
    %get3A_0 = arith.constant 0 : index
    %get3A_1 = vector.load %arg2[%get3A, %get3A_0] : memref<1024x64xf32, #tpu.memory_space<vmem>>, vector<1024x64xf32>
    %get3A_2 = arith.constant 0 : index
    %get3A_3 = arith.constant 0 : index
    %get3A_4 = vector.load %arg3[%get3A_2, %get3A_3] : memref<1024x64xf32, #tpu.memory_space<vmem>>, vector<1024x64xf32>
    %dot_general3A = arith.constant dense<0.000000e+00> : vector<1024x1024xf32>
    %dot_general3A_5 = tpu.matmul %get3A_1, %get3A_4, %dot_general3A {dimension_numbers = #tpu.dot_dimension_numbers<[1], [1], [0], [0], [0, 0, 1, 0], [], []>, transpose_lhs_hint = false} : vector<1024x64xf32>, vector<1024x64xf32>, vector<1024x1024xf32> -> vector<1024x1024xf32>
    %neg3A = arith.constant 0.000000e+00 : f32
    %neg3A_6 = vector.broadcast %neg3A : f32 to vector<1024x1024xf32>
    %neg3A_7 = arith.subf %neg3A_6, %dot_general3A_5 : vector<1024x1024xf32>
    %exp3A = math.exp %neg3A_7 : vector<1024x1024xf32>
    %add3A = arith.constant 1.000000e+00 : f32
    %add3A_8 = vector.broadcast %add3A : f32 to vector<1024x1024xf32>
    %add3A_9 = arith.addf %add3A_8, %exp3A : vector<1024x1024xf32>
    %div3A = arith.constant 1.000000e+00 : f32
    %div3A_10 = vector.broadcast %div3A : f32 to vector<1024x1024xf32>
    %div3A_11 = arith.divf %div3A_10, %add3A_9 : vector<1024x1024xf32>
    %swap3A = arith.constant 0 : index
    %swap3A_12 = arith.constant 0 : index
    %swap3A_13 = vector.load %arg4[%swap3A, %swap3A_12] : memref<1024x1024xf32, #tpu.memory_space<vmem>>, vector<1024x1024xf32>
    tpu.vector_store %arg4[%swap3A, %swap3A_12], %div3A_11 {strides = array<i32>} : memref<1024x1024xf32, #tpu.memory_space<vmem>>, vector<1024x1024xf32>,
    return
  }
  func.func @transform_0(%arg0: i32, %arg1: i32) -> (i32, i32) {
    %c0_i32 = arith.constant 0 : i32
    %c0_i32_0 = arith.constant 0 : i32
    return %arg0, %c0_i32 : i32, i32
  }
  func.func @transform_1(%arg0: i32, %arg1: i32) -> (i32, i32) {
    %c0_i32 = arith.constant 0 : i32
    %c0_i32_0 = arith.constant 0 : i32
    return %arg1, %c0_i32 : i32, i32
  }
  func.func @transform_2(%arg0: i32, %arg1: i32) -> (i32, i32) {
    %c0_i32 = arith.constant 0 : i32
    return %arg0, %arg1 : i32, i32
  }
}

module attributes {stable_mosaic.version = 14 : i64} {
  func.func @_enc_body(%arg0: i32, %arg1: memref<2x1000x128xf32, #tpu.memory_space<vmem>>, %arg2: memref<2x1000x128xf32, #tpu.memory_space<vmem>>, %arg3: memref<2x1000x128xf32, #tpu.memory_space<vmem>>, %arg4: memref<2x1000x128xf32, #tpu.memory_space<vmem>>, %arg5: memref<1000x128xf32, #tpu.memory_space<vmem>>, %arg6: memref<1000x128xf32, #tpu.memory_space<vmem>>, %arg7: memref<2x1000x16xf32, #tpu.memory_space<vmem>>, %arg8: memref<2x1000x16xf32, #tpu.memory_space<vmem>>, %arg9: memref<1x256xf32, #tpu.memory_space<vmem>>, %arg10: memref<256x64xf32, #tpu.memory_space<vmem>>, %arg11: memref<1x64xf32, #tpu.memory_space<vmem>>, %arg12: memref<64x256xf32, #tpu.memory_space<vmem>>, %arg13: memref<1x256xf32, #tpu.memory_space<vmem>>, %arg14: memref<1000x64xf32, #tpu.memory_space<vmem>>, %arg15: memref<1000x256xf32, #tpu.memory_space<vmem>>) attributes {dimension_semantics = [#tpu.dimension_semantics<arbitrary>], iteration_bounds = array<i64: 10>, scalar_prefetch = 0 : i64, scratch_operands = 0 : i64, tpu.core_type = #tpu.core_type<tc>, window_params = [{transform_indices = @transform_0, window_bounds = array<i64: 2, 1000, 128>}, {transform_indices = @transform_1, window_bounds = array<i64: 2, 1000, 128>}, {transform_indices = @transform_2, window_bounds = array<i64: 2, 1000, 128>}, {transform_indices = @transform_3, window_bounds = array<i64: 2, 1000, 128>}, {transform_indices = @transform_4, window_bounds = array<i64: 1000, 128>}, {transform_indices = @transform_5, window_bounds = array<i64: 1000, 128>}, {transform_indices = @transform_6, window_bounds = array<i64: 2, 1000, 16>}, {transform_indices = @transform_7, window_bounds = array<i64: 2, 1000, 16>}, {pipeline_mode = #tpu.pipeline_mode<synchronous>, transform_indices = @transform_8, window_bounds = array<i64: 1, 256>}, {pipeline_mode = #tpu.pipeline_mode<synchronous>, transform_indices = @transform_9, window_bounds = array<i64: 256, 64>}, {pipeline_mode = #tpu.pipeline_mode<synchronous>, transform_indices = @transform_10, window_bounds = array<i64: 1, 64>}, {pipeline_mode = #tpu.pipeline_mode<synchronous>, transform_indices = @transform_11, window_bounds = array<i64: 64, 256>}, {pipeline_mode = #tpu.pipeline_mode<synchronous>, transform_indices = @transform_12, window_bounds = array<i64: 1, 256>}, {transform_indices = @transform_13, window_bounds = array<i64: 1000, 64>}, {transform_indices = @transform_14, window_bounds = array<i64: 1000, 256>}]} {
    %get3A = arith.constant 0 : index
    %get3A_0 = arith.constant 0 : index
    %get3A_1 = arith.constant 0 : index
    %get3A_2 = vector.load %arg8[%get3A, %get3A_0, %get3A_1] : memref<2x1000x16xf32, #tpu.memory_space<vmem>>, vector<1x1000x16xf32>
    %get3A_3 = vector.shape_cast %get3A_2 : vector<1x1000x16xf32> to vector<1000x16xf32>
    %get3A_4 = arith.constant 0 : index
    %get3A_5 = arith.constant 0 : index
    %get3A_6 = arith.constant 0 : index
    %get3A_7 = vector.load %arg7[%get3A_4, %get3A_5, %get3A_6] : memref<2x1000x16xf32, #tpu.memory_space<vmem>>, vector<1x1000x16xf32>
    %get3A_8 = vector.shape_cast %get3A_7 : vector<1x1000x16xf32> to vector<1000x16xf32>
    %sub3A = arith.subf %get3A_3, %get3A_8 : vector<1000x16xf32>
    %get3A_9 = arith.constant 1 : index
    %get3A_10 = arith.constant 0 : index
    %get3A_11 = arith.constant 0 : index
    %get3A_12 = vector.load %arg8[%get3A_9, %get3A_10, %get3A_11] : memref<2x1000x16xf32, #tpu.memory_space<vmem>>, vector<1x1000x16xf32>
    %get3A_13 = vector.shape_cast %get3A_12 : vector<1x1000x16xf32> to vector<1000x16xf32>
    %get3A_14 = arith.constant 1 : index
    %get3A_15 = arith.constant 0 : index
    %get3A_16 = arith.constant 0 : index
    %get3A_17 = vector.load %arg7[%get3A_14, %get3A_15, %get3A_16] : memref<2x1000x16xf32, #tpu.memory_space<vmem>>, vector<1x1000x16xf32>
    %get3A_18 = vector.shape_cast %get3A_17 : vector<1x1000x16xf32> to vector<1000x16xf32>
    %sub3A_19 = arith.subf %get3A_13, %get3A_18 : vector<1000x16xf32>
    %add3A = arith.addf %sub3A, %sub3A_19 : vector<1000x16xf32>
    %slice3A = vector.extract_strided_slice %add3A {offsets = [0, 0], sizes = [1000, 1], strides = [1, 1]} : vector<1000x16xf32> to vector<1000x1xf32>
    %add3A_20 = arith.constant 1.000000e+00 : f32
    %add3A_21 = vector.broadcast %add3A_20 : f32 to vector<1000x1xf32>
    %add3A_22 = arith.addf %slice3A, %add3A_21 : vector<1000x1xf32>
    %rsqrt3A = math.rsqrt %add3A_22 : vector<1000x1xf32>
    %get3A_23 = arith.constant 0 : index
    %get3A_24 = arith.constant 0 : index
    %get3A_25 = arith.constant 0 : index
    %get3A_26 = vector.load %arg2[%get3A_23, %get3A_24, %get3A_25] : memref<2x1000x128xf32, #tpu.memory_space<vmem>>, vector<1x1000x128xf32>
    %get3A_27 = vector.shape_cast %get3A_26 : vector<1x1000x128xf32> to vector<1000x128xf32>
    %get3A_28 = arith.constant 0 : index
    %get3A_29 = arith.constant 0 : index
    %get3A_30 = arith.constant 0 : index
    %get3A_31 = vector.load %arg1[%get3A_28, %get3A_29, %get3A_30] : memref<2x1000x128xf32, #tpu.memory_space<vmem>>, vector<1x1000x128xf32>
    %get3A_32 = vector.shape_cast %get3A_31 : vector<1x1000x128xf32> to vector<1000x128xf32>
    %sub3A_33 = arith.subf %get3A_27, %get3A_32 : vector<1000x128xf32>
    %get3A_34 = arith.constant 1 : index
    %get3A_35 = arith.constant 0 : index
    %get3A_36 = arith.constant 0 : index
    %get3A_37 = vector.load %arg2[%get3A_34, %get3A_35, %get3A_36] : memref<2x1000x128xf32, #tpu.memory_space<vmem>>, vector<1x1000x128xf32>
    %get3A_38 = vector.shape_cast %get3A_37 : vector<1x1000x128xf32> to vector<1000x128xf32>
    %get3A_39 = arith.constant 1 : index
    %get3A_40 = arith.constant 0 : index
    %get3A_41 = arith.constant 0 : index
    %get3A_42 = vector.load %arg1[%get3A_39, %get3A_40, %get3A_41] : memref<2x1000x128xf32, #tpu.memory_space<vmem>>, vector<1x1000x128xf32>
    %get3A_43 = vector.shape_cast %get3A_42 : vector<1x1000x128xf32> to vector<1000x128xf32>
    %sub3A_44 = arith.subf %get3A_38, %get3A_43 : vector<1000x128xf32>
    %add3A_45 = arith.addf %sub3A_33, %sub3A_44 : vector<1000x128xf32>
    %get3A_46 = arith.constant 0 : index
    %get3A_47 = arith.constant 0 : index
    %get3A_48 = vector.load %arg5[%get3A_46, %get3A_47] : memref<1000x128xf32, #tpu.memory_space<vmem>>, vector<1000x128xf32>
    %add3A_49 = arith.addf %add3A_45, %get3A_48 : vector<1000x128xf32>
    %mul3A = vector.broadcast %rsqrt3A : vector<1000x1xf32> to vector<1000x128xf32>
    %mul3A_50 = arith.mulf %add3A_49, %mul3A : vector<1000x128xf32>
    %get3A_51 = arith.constant 0 : index
    %get3A_52 = arith.constant 0 : index
    %get3A_53 = arith.constant 0 : index
    %get3A_54 = vector.load %arg4[%get3A_51, %get3A_52, %get3A_53] : memref<2x1000x128xf32, #tpu.memory_space<vmem>>, vector<1x1000x128xf32>
    %get3A_55 = vector.shape_cast %get3A_54 : vector<1x1000x128xf32> to vector<1000x128xf32>
    %get3A_56 = arith.constant 0 : index
    %get3A_57 = arith.constant 0 : index
    %get3A_58 = arith.constant 0 : index
    %get3A_59 = vector.load %arg3[%get3A_56, %get3A_57, %get3A_58] : memref<2x1000x128xf32, #tpu.memory_space<vmem>>, vector<1x1000x128xf32>
    %get3A_60 = vector.shape_cast %get3A_59 : vector<1x1000x128xf32> to vector<1000x128xf32>
    %sub3A_61 = arith.subf %get3A_55, %get3A_60 : vector<1000x128xf32>
    %get3A_62 = arith.constant 1 : index
    %get3A_63 = arith.constant 0 : index
    %get3A_64 = arith.constant 0 : index
    %get3A_65 = vector.load %arg4[%get3A_62, %get3A_63, %get3A_64] : memref<2x1000x128xf32, #tpu.memory_space<vmem>>, vector<1x1000x128xf32>
    %get3A_66 = vector.shape_cast %get3A_65 : vector<1x1000x128xf32> to vector<1000x128xf32>
    %get3A_67 = arith.constant 1 : index
    %get3A_68 = arith.constant 0 : index
    %get3A_69 = arith.constant 0 : index
    %get3A_70 = vector.load %arg3[%get3A_67, %get3A_68, %get3A_69] : memref<2x1000x128xf32, #tpu.memory_space<vmem>>, vector<1x1000x128xf32>
    %get3A_71 = vector.shape_cast %get3A_70 : vector<1x1000x128xf32> to vector<1000x128xf32>
    %sub3A_72 = arith.subf %get3A_66, %get3A_71 : vector<1000x128xf32>
    %add3A_73 = arith.addf %sub3A_61, %sub3A_72 : vector<1000x128xf32>
    %get3A_74 = arith.constant 0 : index
    %get3A_75 = arith.constant 0 : index
    %get3A_76 = vector.load %arg6[%get3A_74, %get3A_75] : memref<1000x128xf32, #tpu.memory_space<vmem>>, vector<1000x128xf32>
    %add3A_77 = arith.addf %add3A_73, %get3A_76 : vector<1000x128xf32>
    %mul3A_78 = vector.broadcast %rsqrt3A : vector<1000x1xf32> to vector<1000x128xf32>
    %mul3A_79 = arith.mulf %add3A_77, %mul3A_78 : vector<1000x128xf32>
    %concatenate3A = tpu.concatenate %mul3A_50, %mul3A_79 in 1 : vector<1000x128xf32>, vector<1000x128xf32> -> vector<1000x256xf32>
    %get3A_80 = arith.constant 0 : index
    %get3A_81 = arith.constant 0 : index
    %get3A_82 = vector.load %arg9[%get3A_80, %get3A_81] : memref<1x256xf32, #tpu.memory_space<vmem>>, vector<1x256xf32>
    %add3A_83 = vector.broadcast %get3A_82 : vector<1x256xf32> to vector<1000x256xf32>
    %add3A_84 = arith.addf %concatenate3A, %add3A_83 : vector<1000x256xf32>
    %max3A = arith.constant 0.000000e+00 : f32
    %max3A_85 = vector.broadcast %max3A : f32 to vector<1000x256xf32>
    %max3A_86 = arith.maximumf %add3A_84, %max3A_85 : vector<1000x256xf32>
    %get3A_87 = arith.constant 0 : index
    %get3A_88 = arith.constant 0 : index
    %get3A_89 = vector.load %arg10[%get3A_87, %get3A_88] : memref<256x64xf32, #tpu.memory_space<vmem>>, vector<256x64xf32>
    %dot_general3A = arith.constant dense<0.000000e+00> : vector<1000x64xf32>
    %dot_general3A_90 = tpu.matmul %max3A_86, %get3A_89, %dot_general3A {dimension_numbers = #tpu.dot_dimension_numbers<[1], [0], [0], [1], [0, 0, 1, 1], [], []>, transpose_lhs_hint = false} : vector<1000x256xf32>, vector<256x64xf32>, vector<1000x64xf32> -> vector<1000x64xf32>
    %get3A_91 = arith.constant 0 : index
    %get3A_92 = arith.constant 0 : index
    %get3A_93 = vector.load %arg11[%get3A_91, %get3A_92] : memref<1x64xf32, #tpu.memory_space<vmem>>, vector<1x64xf32>
    %add3A_94 = vector.broadcast %get3A_93 : vector<1x64xf32> to vector<1000x64xf32>
    %add3A_95 = arith.addf %dot_general3A_90, %add3A_94 : vector<1000x64xf32>
    %swap3A = arith.constant 0 : index
    %swap3A_96 = arith.constant 0 : index
    %swap3A_97 = vector.load %arg14[%swap3A, %swap3A_96] : memref<1000x64xf32, #tpu.memory_space<vmem>>, vector<1000x64xf32>
    tpu.vector_store %arg14[%swap3A, %swap3A_96], %add3A_95 {strides = array<i32>} : memref<1000x64xf32, #tpu.memory_space<vmem>>, vector<1000x64xf32>,
    %get3A_98 = arith.constant 0 : index
    %get3A_99 = arith.constant 0 : index
    %get3A_100 = vector.load %arg12[%get3A_98, %get3A_99] : memref<64x256xf32, #tpu.memory_space<vmem>>, vector<64x256xf32>
    %dot_general3A_101 = arith.constant dense<0.000000e+00> : vector<1000x256xf32>
    %dot_general3A_102 = tpu.matmul %add3A_95, %get3A_100, %dot_general3A_101 {dimension_numbers = #tpu.dot_dimension_numbers<[1], [0], [0], [1], [0, 0, 1, 1], [], []>, transpose_lhs_hint = false} : vector<1000x64xf32>, vector<64x256xf32>, vector<1000x256xf32> -> vector<1000x256xf32>
    %get3A_103 = arith.constant 0 : index
    %get3A_104 = arith.constant 0 : index
    %get3A_105 = vector.load %arg13[%get3A_103, %get3A_104] : memref<1x256xf32, #tpu.memory_space<vmem>>, vector<1x256xf32>
    %add3A_106 = vector.broadcast %get3A_105 : vector<1x256xf32> to vector<1000x256xf32>
    %add3A_107 = arith.addf %dot_general3A_102, %add3A_106 : vector<1000x256xf32>
    %swap3A_108 = arith.constant 0 : index
    %swap3A_109 = arith.constant 0 : index
    %swap3A_110 = vector.load %arg15[%swap3A_108, %swap3A_109] : memref<1000x256xf32, #tpu.memory_space<vmem>>, vector<1000x256xf32>
    tpu.vector_store %arg15[%swap3A_108, %swap3A_109], %add3A_107 {strides = array<i32>} : memref<1000x256xf32, #tpu.memory_space<vmem>>, vector<1000x256xf32>,
    return
  }
  func.func @transform_0(%arg0: i32) -> (i32, i32, i32) {
    %c0_i32 = arith.constant 0 : i32
    %c0_i32_0 = arith.constant 0 : i32
    %c0_i32_1 = arith.constant 0 : i32
    return %c0_i32, %arg0, %c0_i32_0 : i32, i32, i32
  }
  func.func @transform_1(%arg0: i32) -> (i32, i32, i32) {
    %c0_i32 = arith.constant 0 : i32
    %c0_i32_0 = arith.constant 0 : i32
    %c0_i32_1 = arith.constant 0 : i32
    return %c0_i32, %arg0, %c0_i32_0 : i32, i32, i32
  }
  func.func @transform_2(%arg0: i32) -> (i32, i32, i32) {
    %c0_i32 = arith.constant 0 : i32
    %c0_i32_0 = arith.constant 0 : i32
    %c0_i32_1 = arith.constant 0 : i32
    return %c0_i32, %arg0, %c0_i32_0 : i32, i32, i32
  }
  func.func @transform_3(%arg0: i32) -> (i32, i32, i32) {
    %c0_i32 = arith.constant 0 : i32
    %c0_i32_0 = arith.constant 0 : i32
    %c0_i32_1 = arith.constant 0 : i32
    return %c0_i32, %arg0, %c0_i32_0 : i32, i32, i32
  }
  func.func @transform_4(%arg0: i32) -> (i32, i32) {
    %c0_i32 = arith.constant 0 : i32
    %c0_i32_0 = arith.constant 0 : i32
    return %arg0, %c0_i32 : i32, i32
  }
  func.func @transform_5(%arg0: i32) -> (i32, i32) {
    %c0_i32 = arith.constant 0 : i32
    %c0_i32_0 = arith.constant 0 : i32
    return %arg0, %c0_i32 : i32, i32
  }
  func.func @transform_6(%arg0: i32) -> (i32, i32, i32) {
    %c0_i32 = arith.constant 0 : i32
    %c0_i32_0 = arith.constant 0 : i32
    %c0_i32_1 = arith.constant 0 : i32
    return %c0_i32, %arg0, %c0_i32_0 : i32, i32, i32
  }
  func.func @transform_7(%arg0: i32) -> (i32, i32, i32) {
    %c0_i32 = arith.constant 0 : i32
    %c0_i32_0 = arith.constant 0 : i32
    %c0_i32_1 = arith.constant 0 : i32
    return %c0_i32, %arg0, %c0_i32_0 : i32, i32, i32
  }
  func.func @transform_8(%arg0: i32) -> (i32, i32) {
    %c0_i32 = arith.constant 0 : i32
    %c0_i32_0 = arith.constant 0 : i32
    %c0_i32_1 = arith.constant 0 : i32
    return %c0_i32, %c0_i32_0 : i32, i32
  }
  func.func @transform_9(%arg0: i32) -> (i32, i32) {
    %c0_i32 = arith.constant 0 : i32
    %c0_i32_0 = arith.constant 0 : i32
    %c0_i32_1 = arith.constant 0 : i32
    return %c0_i32, %c0_i32_0 : i32, i32
  }
  func.func @transform_10(%arg0: i32) -> (i32, i32) {
    %c0_i32 = arith.constant 0 : i32
    %c0_i32_0 = arith.constant 0 : i32
    %c0_i32_1 = arith.constant 0 : i32
    return %c0_i32, %c0_i32_0 : i32, i32
  }
  func.func @transform_11(%arg0: i32) -> (i32, i32) {
    %c0_i32 = arith.constant 0 : i32
    %c0_i32_0 = arith.constant 0 : i32
    %c0_i32_1 = arith.constant 0 : i32
    return %c0_i32, %c0_i32_0 : i32, i32
  }
  func.func @transform_12(%arg0: i32) -> (i32, i32) {
    %c0_i32 = arith.constant 0 : i32
    %c0_i32_0 = arith.constant 0 : i32
    %c0_i32_1 = arith.constant 0 : i32
    return %c0_i32, %c0_i32_0 : i32, i32
  }
  func.func @transform_13(%arg0: i32) -> (i32, i32) {
    %c0_i32 = arith.constant 0 : i32
    %c0_i32_0 = arith.constant 0 : i32
    return %arg0, %c0_i32 : i32, i32
  }
  func.func @transform_14(%arg0: i32) -> (i32, i32) {
    %c0_i32 = arith.constant 0 : i32
    %c0_i32_0 = arith.constant 0 : i32
    return %arg0, %c0_i32 : i32, i32
  }
}

</mosaic_0001>

<sc_bundles>
// kernel: kernel.11.cloned.1.call-start
scs
__scs_entry_jumppad:
0x0: {  	(pc) =	sbr.rel $0x88, $3  }
0x1: {  	(tag) =	ssettag $0x0;
	lr =	simm.s32 $0x1  }
0x2: {  	[smem:$0x3F99] =	sst lr;
	_ =	strace $0xD0000000  }
0x3: {  	_ = 	snop  }
0x4: {  	_ = 	snop  }
0x5: {  	_ = 	snop  }
0x6: {  	_ = 	snop  }
0x7: {  	_ = 	snop  }
__scs_overlays_trampoline_lowered:
0x8: {  	[smem:$0x3FA8] =	sst s0  }
0x9: {  	[smem:$0x3FA9] =	sst s1  }
0xa: {  	[smem:$0x3FAA] =	sst s2  }
0xb: {  	[smem:$0x3FAB] =	sst s3  }
0xc: {  	[smem:$0x3FAC] =	sst s4  }
0xd: {  	[smem:$0x3FAD] =	sst s5  }
0xe: {  	[smem:$0x3FAE] =	sst s6  }
0xf: {  	[smem:$0x3FAF] =	sst s7  }
0x10: {  	[smem:$0x3FB0] =	sst s8  }
0x11: {  	[smem:$0x3FB1] =	sst s9;
	s0 =	simm.s32 @!p0 $0x0  }
0x12: {  	s1 =	sld [smem:$0x3F97];
	s0 =	simm.s32 @p0 $0x1  }
0x13: {  	[smem:$0x3FB2] =	sst s0;
	s0 =	simm.s32 @!p1 $0x0  }
0x14: {  	s2 =	sld [smem:$0x3F96];
	s0 =	simm.s32 @p1 $0x1  }
0x15: {  	[smem:$0x3FB3] =	sst s0;
	s0 =	simm.s32 @!p2 $0x0  }
0x16: {  	s3 =	sld [smem:$0x3FDB];
	s0 =	simm.s32 @p2 $0x1  }
0x17: {  	s4 =	simm.s32 $0x1BF5;
	[smem:$0x3FB5] =	sst s0  }
0x18: {  	s0 =	sld [smem:$0x3F98];
	_ =	swait.ge [sflag:s4], $0x0  }
0x19: {  	s7 =	sld [smem:$0x3F99]  }
0x1a: {  	s8 =	sadd.s32 $0xFFFFE003, lr  }
0x1b: {  	s9 =	sadd.s32 $0xFFFFFEF7, lr;
	s5 =	simm.s32 $0xFFFFFFFF;
	p2 =	slt.u32 s8, $0xFFFFF086  }
0x1c: {  	p1 =	slt.u32 s9, $0xF7A;
	s5 =	simm.s32 @!p2 $0x0  }
0x1d: {  	s5 =	simm.s32 @p1 $0x1;
	p0 =	seq.s32 s7, s2  }
0x1e: {  	s7 =	smul.u32 @!p0 $0xF7A, s2;
	p2 =	seq.s32 @!p0 s5, $0x0  }
0x1f: {  	s9 =	smul.u32 $0xF7A, s1;
	s8 =	simm.s32 @!p0 $0x1BF5;
	p2 =	por !p2, p0  }
0x20: {  	[sflag:s8] =	ssyncset.s32 @!p0 $0xFFFFF086;
	s6 =	sadd.s32 @!p0 s3, s7;
	s7 =	simm.s32 @!p0 $0x108  }
0x21: {  	s3 =	sadd.s32 s3, s9;
	s6 =	sadd.s32 @!p0 $0x88, s6;
	s7 =	simm.s32 @p2 $0x1082  }
0x22: {  	[simem:s7], [sflag:s8] =	dma.local @!p0 [hbm:s6], $0xF7A  }
0x23: {  	s9 =	sor.u32 $0xD0000000, s2;
	s6 =	simm.s32 $0x108;
	_ =	swait.ge @!p0 [sflag:s8], $0x0  }
0x24: {  	s3 =	sadd.s32 $0x88, s3;
	s6 =	simm.s32 @!p1 $0x1082;
	[sflag:s4] =	ssyncset.s32 $0xFFFFF086  }
0x25: {  	[simem:s6], [sflag:s4] =	dma.local [hbm:s3], $0xF7A  }
0x26: {  	[smem:$0x3F99] =	sst s1;
	(tag) =	ssettag s2;
	_ =	strace s9  }
0x27: {  	s1 =	sld [smem:$0x3FA9]  }
0x28: {  	s2 =	sld [smem:$0x3FAA]  }
0x29: {  	s4 =	sld [smem:$0x3FAC]  }
0x2a: {  	p0 =	seq.s32 s5, $0x0;
	s5 =	sld [smem:$0x3FAD]  }
0x2b: {  	s6 =	sld [smem:$0x3FAE]  }
0x2c: {  	s7 =	sld [smem:$0x3FAF]  }
0x2d: {  	s3 =	simm.s32 $0x108;
	s8 =	sld [smem:$0x3FB0]  }
0x2e: {  	s3 =	simm.s32 @!p0 $0x1082;
	s9 =	sld [smem:$0x3FB1]  }
0x2f: {  	lr =	sadd.s32 s0, s3;
	s0 =	sld [smem:$0x3FA8]  }
0x30: {  	s3 =	sld [smem:$0x3FAB]  }
0x31: {  	[smem:$0x3FB4] =	sst s10  }
0x32: {  	s10 =	sld [smem:$0x3FB2];
	_ =	sdelay $0x3  }
0x33: {  	p0 =	seq.s32 s10, $0x1;
	s10 =	sld [smem:$0x3FB4];
	_ =	sdelay $0x3  }
0x34: {  	[smem:$0x3FB4] =	sst s10  }
0x35: {  	s10 =	sld [smem:$0x3FB3];
	_ =	sdelay $0x3  }
0x36: {  	p1 =	seq.s32 s10, $0x1;
	s10 =	sld [smem:$0x3FB4];
	_ =	sdelay $0x3  }
0x37: {  	[smem:$0x3FB4] =	sst s10  }
0x38: {  	s10 =	sld [smem:$0x3FB5]  }
0x39: {  	_ = 	snop;
	(pc) =	sbr.ind lr, $3  }
0x3a: {  	_ = 	snop  }
0x3b: {  	_ = 	snop  }
0x3c: {  	p2 =	seq.s32 s10, $0x1;
	s10 =	sld [smem:$0x3FB4]  }
0x3d: {  	_ =	shalt  }
0x3e: {  	_ =	shalt  }
0x3f: {  	_ =	shalt  }
0x40: {  	_ =	shalt  }
0x41: {  	_ =	shalt  }
0x42: {  	_ =	shalt  }
0x43: {  	_ =	shalt  }
0x44: {  	_ =	shalt  }
0x45: {  	_ =	shalt  }
0x46: {  	_ =	shalt  }
0x47: {  	_ =	shalt  }
0x48: {  	_ =	shalt  }
0x49: {  	_ =	shalt  }
0x4a: {  	_ =	shalt  }
0x4b: {  	_ =	shalt  }
0x4c: {  	_ =	shalt  }
0x4d: {  	_ =	shalt  }
0x4e: {  	_ =	shalt  }
0x4f: {  	_ =	shalt  }
0x50: {  	_ =	shalt  }
0x51: {  	_ =	shalt  }
0x52: {  	_ =	shalt  }
0x53: {  	_ =	shalt  }
0x54: {  	_ =	shalt  }
0x55: {  	_ =	shalt  }
0x56: {  	_ =	shalt  }
0x57: {  	_ =	shalt  }
0x58: {  	_ =	shalt  }
0x59: {  	_ =	shalt  }
0x5a: {  	_ =	shalt  }
0x5b: {  	_ =	shalt  }
0x5c: {  	_ =	shalt  }
0x5d: {  	_ =	shalt  }
0x5e: {  	_ =	shalt  }
0x5f: {  	_ =	shalt  }
0x60: {  	_ =	shalt  }
0x61: {  	_ =	shalt  }
0x62: {  	_ =	shalt  }
0x63: {  	_ =	shalt  }
0x64: {  	_ =	shalt  }
0x65: {  	_ =	shalt  }
0x66: {  	_ =	shalt  }
0x67: {  	_ =	shalt  }
0x68: {  	_ =	shalt  }
0x69: {  	_ =	shalt  }
0x6a: {  	_ =	shalt  }
0x6b: {  	_ =	shalt  }
0x6c: {  	_ =	shalt  }
0x6d: {  	_ =	shalt  }
0x6e: {  	_ =	shalt  }
0x6f: {  	_ =	shalt  }
0x70: {  	_ =	shalt  }
0x71: {  	_ =	shalt  }
0x72: {  	_ =	shalt  }
0x73: {  	_ =	shalt  }
0x74: {  	_ =	shalt  }
0x75: {  	_ =	shalt  }
0x76: {  	_ =	shalt  }
0x77: {  	_ =	shalt  }
0x78: {  	_ =	shalt  }
0x79: {  	_ =	shalt  }
0x7a: {  	_ =	shalt  }
0x7b: {  	_ =	shalt  }
0x7c: {  	_ =	shalt  }
0x7d: {  	_ =	shalt  }
0x7e: {  	_ =	shalt  }
0x7f: {  	_ =	shalt  }
0x80: {  	_ =	shalt  }
0x81: {  	_ =	shalt  }
0x82: {  	_ =	shalt  }
0x83: {  	_ =	shalt  }
0x84: {  	_ =	shalt  }
0x85: {  	_ =	shalt  }
0x86: {  	_ =	shalt  }
0x87: {  	_ =	shalt  }
.Lfunc_end0:
.L_simem_size_0:
called_computation.1_lowered:
.L_overlay_start_0:
0x88: {  	s2 =	sld [smem:$0x3FD9]  }
0x89: {  	s3 =	sld [smem:$0x3FFE];
	_ =	sdelay $0x1  }
0x8a: {  	s1 =	srdreg.scid  }
0x8b: {  	s0 =	sand.u32 $0x1, s1  }
0x8c: {  	s14 =	sshll.u32 s0, $0xA;
	s2 =	sadd.s32 s3, s2  }
0x8d: {  	s2 =	sadd.s32 s2, s14  }
0x8e: {  	[smem:$0x3FC0] =	sst s2  }
0x8f: {  	_ = 	snop  }
0x90: {  	s2 =	sld [smem:$0x3FD0];
	_ =	sdelay $0x2  }
0x91: {  	s15 =	simm.s32 $0xB;
	s4 =	simm.s32 $0x10  }
0x92: {  	[smem:s4], [sflag:s15] =	dma.local [hbm:s2], $0x1  }
0x93: {  	_ =	swait.eq [sflag:s15], $0x1  }
0x94: {  	[sflag:s15] =	ssyncset.done $0x0  }
0x95: {  	[sflag:s15] =	ssyncadd.s32 $0xFFFFFFFF  }
0x96: {  	s16 =	sld [smem:$0x10];
	(tm) =	ssettm $0x1  }
0x97: {  	s17 =	sld [smem:$0x3FFB];
	_ =	sdelay $0x3  }
0x98: {  	_ =	strace s17  }
0x99: {  	s3 =	sld [smem:$0x3FFC];
	_ =	sdelay $0x3  }
0x9a: {  	_ =	strace s3  }
0x9b: {  	s3 =	sld [smem:$0x3FFD];
	_ =	sdelay $0x3  }
0x9c: {  	_ =	strace s3  }
0x9d: {  	_ =	strace $0x8FFFFFFF  }
0x9e: {  	s18 =	sld [smem:$0x3FDB];
	_ =	sdelay $0x1  }
0x9f: {  	s19 =	simm.s32 $_scs_section_size  }
0xa0: {  	s5 =	simm.s32 $_size__tile_overlayer_lowered;
	s6 =	simm.s32 $_tile_overlayer_lowered  }
0xa1: {  	s22 =	simm.s32 $0x1BFF;
	s21 =	sshll.u32 s6, $0x1;
	s3 =	sadd.s32 s19, s18  }
0xa2: {  	s7 =	simm.s32 $0x0;
	s20 =	sshll.u32 s5, $0x1;
	s5 =	sadd.s32 s21, s3  }
0xa3: {  	[timem:s7], [sflag:s22] =	dma.local [hbm:s5], s20  }
0xa4: {  	_ =	swait.ge [sflag:s22], s20  }
0xa5: {  	s4 =	ssub.s32 $0x0, s20;
	[sflag:s22] =	ssyncset.done $0x0  }
0xa6: {  	[sflag:s22] =	ssyncadd.s32 s4;
	_ =	sdelay $0x1  }
0xa7: {  	s23 =	simm.s32 $0x1B8B  }
0xa8: {  	_ =	swait.ge [sflag:s23], $0x1  }
0xa9: {  	[sflag:s23] =	ssyncset.done $0x0  }
0xaa: {  	s25 =	simm.s32 $0x1B8E;
	s24 =	sld [smem:$0x3FFE];
	[sflag:s23] =	ssyncadd.s32 $0xFFFFFFFF  }
0xab: {  	s26 =	simm.s32 $execute0_lowered;
	[smem:$0x3FD2] =	sst s25  }
0xac: {  	s5 =	sshll.u32 s26, $0x1;
	_ =	strace $0x80000049;
	[dreg:$0x1] =	wrdreg $0xFFFFFFFF  }
0xad: {  	s28 =	simm.s32 $_size_execute0_lowered;
	s3 =	sadd.s32 s3, s5;
	[dreg:$0x0] =	wrdreg $0x0  }
0xae: {  	s5 =	sshll.u32 s28, $0x1;
	[dreg:$0x2] =	wrdreg s3  }
0xaf: {  	[dreg:$0x3] =	wrdreg s5  }
0xb0: {  	[dreg:$0x4] =	wrdreg $0xC0  }
0xb1: {  	_ =	task [dreg:s7], $0x5FFFF  }
0xb2: {  	[dreg:$0x1] =	wrdreg $0xFFFFFFFF  }
0xb3: {  	[dreg:$0x0] =	wrdreg $0x60  }
0xb4: {  	[dreg:$0x2] =	wrdreg s16  }
0xb5: {  	[dreg:$0x3] =	wrdreg s24  }
0xb6: {  	[dreg:$0x4] =	wrdreg $0x68000  }
0xb7: {  	[dreg:$0x5] =	wrdreg $0x9  }
0xb8: {  	_ =	task.clear_ibuf [dreg:s7], $0x6FFFF;
	_ =	strace $0x90000049  }
0xb9: {  	s29 =	simm.s32 $0x9;
	_ =	strace $0x8000004B  }
0xba: {  	_ =	swait.ge [sflag:s29], $0x1  }
0xbb: {  	[sflag:s29] =	ssyncadd.s32 $0xFFFFFFFF  }
0xbc: {  	_ =	strace $0x9000004B  }
0xbd: {  	_ =	sfence  }
0xbe: {  	s30 =	sld [smem:$0x0];
	_ =	sdelay $0x2  }
0xbf: {  	s31 =	sshll.u32 s1, $0xD;
	s1 =	sshrl.u32 s1, $0x2  }
0xc0: {  	s3 =	sand.u32 $0x4000, s31;
	s1 =	sadd.s32 s1, s30  }
0xc1: {  	s0 =	sor.u32 s3, s0;
	s1 =	sshll.u32 s1, $0x11  }
0xc2: {  	s0 =	sor.u32 s1, s0  }
0xc3: {  	s0 =	sadd.s32 $0x8F2B, s0  }
0xc4: {  	[sflag:s0] =	ssyncadd.remote.s32 $0x1  }
0xc5: {  	_ =	sfence.sel $0xFFFF  }
0xc6: {  	[dreg:$0x0] =	wrdreg $0xFFFFFFFF;
	(pc) =	sbr.abs _section_cstart, $3  }
0xc7: {  	[dreg:$0x1] =	wrdreg $0xFFFFFFFF  }
0xc8: {  	_ =	task.clear_ibuf [dreg:s7], $0x2FFFF;
	_ =	strace $0x9FFFFFFF  }
0xc9: {  	(tm) =	ssettm $0x7FFFFFFF  }
tec
execute0_lowered:
.L_overlay_start_1:
0x0: {  	(tag) =	ssettag $0x1  }
0x1: {  	s1 =	rddreg [dreg:$0x0]  }
0x2: {  	s5 =	rddreg [dreg:$0x1]  }
0x3: {  	s3 =	rddreg [dreg:$0x2];
	s4 =	srdreg.scid  }
0x4: {  	s0 =	rddreg [dreg:$0x3];
	s2 =	stileid.u32  }
0x5: {  	s14 =	simm.s32 $0x80;
	s15 =	simm.s32 $0x2800;
	s16 =	simm.s32 $0x1  }
0x6: {  	s17 =	simm.s32 $0x0;
	s6 =	sand.u32 $0x1, s4;
	s9 =	smul.u32 $0x13C00, s2  }
0x7: {  	s4 =	simm.s32 $0x0;
	s7 =	sshll.u32 s2, $0x1;
	s26 =	smul.u32 $0x4F000, s2  }
0x8: {  	s31 =	sshll.u32 s2, $0x6;
	s8 =	smul.u32 $0x13C000, s6;
	[smem:$0x7FF] =	sst s4  }
0x9: {  	s7 =	sor.u32 s6, s7;
	s6 =	ssub.s32 $0x2, s6;
	_ =	strace $0x8000004A  }
0xa: {  	s7 =	smul.u32 $0x280, s7;
	s29 =	sshrl.u32 s6, $0x1;
	s30 =	sshrl.u32 s26, $0x2  }
0xb: {  	s8 =	sadd.s32 s9, s8;
	s12 =	ssub.s32 s6, s29;
	s13 =	sadd.s32 s30, s3  }
0xc: {  	s6 =	sor.u32 $0x1C02, s31;
	s10 =	sadd.s32 s7, s5;
	s28 =	sshrl.u32 s8, $0x3  }
0xd: {  	s11 =	sadd.s32 s28, s5;
	s7 =	sadd.s32 $0xA6000, s10;
	s8 =	sadd.s32 $0x3000, s10  }
0xe: {  	s10 =	smax.u32 s12, $0x1;
	s12 =	simm.s32 $0x2;
	s5 =	sadd.s32 $0xD2200, s11  }
0xf: {  	s9 =	sadd.s32 $0x121200, s11;
	s11 =	sshrl.u32 s13, $0x3;
	s13 =	simm.s32 $0x1400  }
.LBB2_1:
0x10: {  	[hbm:s5], [sflag:s6] =	dma.local [spmem:s11], $0x2780  }
0x11: {  	_ =	swait.ge [sflag:s12], $0x2780  }
0x12: {  	[sflag:s12] =	ssyncset.done $0x0  }
0x13: {  	[sflag:s12] =	ssyncadd.s32 $0xFFFFD880  }
0x14: {  	[tilespmem:s4], [sflag:$0x2] =	stream.linear.gather [hbm4b:s7+s4], $0x1400, $0x38;
	[tilespmem:$0x1A400] =	vst v63  }
0x15: {  	_ =	swait.ge [sflag:s12], $0x1400  }
0x16: {  	[sflag:s12] =	ssyncset.done $0x0  }
0x17: {  	[sflag:s12] =	ssyncadd.s32 $0xFFFFEC00  }
0x18: {  	[tilespmem:s13], [sflag:$0x2] =	stream.linear.gather [hbm4b:s8+s4], $0x1400, $0x38;
	[tilespmem:$0x1A400] =	vst v63  }
0x19: {  	_ =	swait.ge [sflag:s12], $0x1400  }
0x1a: {  	[sflag:s12] =	ssyncset.done $0x0  }
0x1b: {  	[sflag:s12] =	ssyncadd.s32 $0xFFFFEC00  }
0x1c: {  	s18 =	simm.s32 $0x0;
	[bflag:$0x0] =	sbarrier.arrive $0xFFFF  }
0x1d: {  	[tilespmem:s15], [sflag:$0x1] =	stream.indirect.gather [hbm4b:s1+s14], $0x80, s18, s14, $0xb8;
	[tilespmem:$0x1A400] =	vst v63  }
0x1e: {  	_ =	swait.ge [sflag:s16], $0x4000  }
0x1f: {  	[sflag:s16] =	ssyncset.done $0x0  }
0x20: {  	s31 =	simm.s32 $0x1400;
	[sflag:s16] =	ssyncadd.s32 $0xFFFFC000  }
0x21: {  	[spmem:s3] =	stream.indirect.scatter.add.f32 [tilespmem:s15], [sflag:$0x2], $0x80, s31, s14, $0xb8;
	[tilespmem:$0x1A400] =	vst v63  }
0x22: {  	_ =	swait.ge [sflag:s12], $0x4000  }
0x23: {  	s19 =	simm.s32 $0x400;
	s18 =	simm.s32 $0x200;
	[sflag:s12] =	ssyncset.done $0x0  }
.LBB2_2:
0x24: {  	s20 =	sshra.s32 s18, $0x2  }
0x25: {  	[sflag:s12] =	ssyncadd.s32 $0xFFFFC000;
	s18 =	smov.u32 s19;
	s21 =	sadd.s32 $0x200, s19  }
0x26: {  	[tilespmem:s15], [sflag:$0x1] =	stream.indirect.gather [hbm4b:s1+s14], $0x80, s20, s14, $0xb8;
	[tilespmem:$0x1A400] =	vst v63  }
0x27: {  	p0 =	sne.s32 s19, $0x4E00;
	_ =	swait.ge [sflag:s16], $0x4000  }
.Ltmp0:
0x28: {  	[sflag:s16] =	ssyncset.done $0x0;
	(pc) =	sbr.rel @p0 .LBB2_2-.Ltmp0, $4  }
0x29: {  	s19 =	sadd.s32 $0x1400, s20;
	[sflag:s16] =	ssyncadd.s32 $0xFFFFC000  }
0x2a: {  	[spmem:s3] =	stream.indirect.scatter.add.f32 [tilespmem:s15], [sflag:$0x2], $0x80, s19, s14, $0xb8;
	[tilespmem:$0x1A400] =	vst v63  }
0x2b: {  	_ =	swait.ge [sflag:s12], $0x4000  }
0x2c: {  	s19 =	smov.u32 s21;
	[sflag:s12] =	ssyncset.done $0x0  }
0x2d: {  	s18 =	sshra.s32 s18, $0x2;
	[sflag:s12] =	ssyncadd.s32 $0xFFFFC000  }
0x2e: {  	[tilespmem:s15], [sflag:$0x1] =	stream.indirect.gather [hbm4b:s1+s14], $0x80, s18, s14, $0xb8;
	[tilespmem:$0x1A400] =	vst v63  }
0x2f: {  	_ =	swait.ge [sflag:s16], $0x4000  }
0x30: {  	[sflag:s16] =	ssyncset.done $0x0  }
0x31: {  	s18 =	sadd.s32 $0x1400, s18;
	[sflag:s16] =	ssyncadd.s32 $0xFFFFC000  }
0x32: {  	[spmem:s3] =	stream.indirect.scatter.add.f32 [tilespmem:s15], [sflag:$0x2], $0x80, s18, s14, $0xb8;
	[tilespmem:$0x1A400] =	vst v63  }
0x33: {  	_ =	swait.ge [sflag:s12], $0x4000  }
0x34: {  	s17 =	sadd.s32 $0x1, s17;
	[sflag:s12] =	ssyncset.done $0x0  }
0x35: {  	p0 =	sne.s32 s17, s10;
	[sflag:s12] =	ssyncadd.s32 $0xFFFFC000  }
.Ltmp1:
0x36: {  	[bflag:$0x0] =	sbarrier.arrive $0xFFFF;
	(pc) =	sbr.rel @p0 .LBB2_1-.Ltmp1, $4  }
0x37: {  	[hbm:s9], [sflag:s6] =	dma.local [spmem:s11], $0x2780  }
0x38: {  	_ =	swait.ge [sflag:s12], $0x2780  }
0x39: {  	[sflag:s12] =	ssyncset.done $0x0  }
0x3a: {  	[sflag:s12] =	ssyncadd.s32 $0xFFFFD880  }
0x3b: {  	_ =	sfence.sel $0x180000  }
0x3c: {  	[bflag:$0x0] =	sbarrier.arrive $0xFFFF  }
0x3d: {  	p0 =	sne.s32 s2, $0x0;
	_ =	strace $0x9000004A  }
0x3e: {  	s0 =	sadd.s32 @!p0 $0x100000, s0;
	[bflag:$0x2] =	sbarrier.arrive $0xFFFF  }
0x3f: {  	[sflag:s0] =	ssyncadd.tile.s32 @!p0 $0x1;
	_ =	shalt  }
.Lfunc_end2:
_tile_overlayer_lowered:
.L_overlay_start_2:
0x40: {  	(tag) =	ssettag $0x2  }
0x41: {  	s0 =	rddreg [dreg:$0x0];
	s2 =	stileid.u32  }
0x42: {  	s1 =	rddreg [dreg:$0x1];
	p0 =	sne.s32 s2, $0x0  }
0x43: {  	s3 =	rddreg [dreg:$0x2];
	[bflag:$0x3] =	sbarrier.arrive $0xFFFF;
	s2 =	simm.s32 @!p0 $0x1C02  }
0x44: {  	[timem:s3], [sflag:s2] =	dma.local @!p0 [hbm:s0], s1  }
0x45: {  	s0 =	simm.s32 @!p0 $0x2  }
0x46: {  	_ =	swait.ge @!p0 [sflag:s0], s1  }
0x47: {  	s1 =	ssub.s32 @!p0 $0x0, s1;
	[sflag:s0] =	ssyncset.done @!p0 $0x0  }
0x48: {  	[sflag:s0] =	ssyncadd.s32 @!p0 s1  }
0x49: {  	[bflag:$0x3] =	sbarrier.arrive $0xFFFF  }
0x4a: {  	_ =	shalt  }

// kernel: kernel.14.cloned.1.call-start
scs
__scs_entry_jumppad:
0x0: {  	(pc) =	sbr.rel $0x88, $3  }
0x1: {  	(tag) =	ssettag $0x0;
	lr =	simm.s32 $0x1  }
0x2: {  	[smem:$0x3F99] =	sst lr;
	_ =	strace $0xD0000000  }
0x3: {  	_ = 	snop  }
0x4: {  	_ = 	snop  }
0x5: {  	_ = 	snop  }
0x6: {  	_ = 	snop  }
0x7: {  	_ = 	snop  }
__scs_overlays_trampoline_lowered:
0x8: {  	[smem:$0x3FA8] =	sst s0  }
0x9: {  	[smem:$0x3FA9] =	sst s1  }
0xa: {  	[smem:$0x3FAA] =	sst s2  }
0xb: {  	[smem:$0x3FAB] =	sst s3  }
0xc: {  	[smem:$0x3FAC] =	sst s4  }
0xd: {  	[smem:$0x3FAD] =	sst s5  }
0xe: {  	[smem:$0x3FAE] =	sst s6  }
0xf: {  	[smem:$0x3FAF] =	sst s7  }
0x10: {  	[smem:$0x3FB0] =	sst s8  }
0x11: {  	[smem:$0x3FB1] =	sst s9;
	s0 =	simm.s32 @!p0 $0x0  }
0x12: {  	s1 =	sld [smem:$0x3F97];
	s0 =	simm.s32 @p0 $0x1  }
0x13: {  	[smem:$0x3FB2] =	sst s0;
	s0 =	simm.s32 @!p1 $0x0  }
0x14: {  	s2 =	sld [smem:$0x3F96];
	s0 =	simm.s32 @p1 $0x1  }
0x15: {  	[smem:$0x3FB3] =	sst s0;
	s0 =	simm.s32 @!p2 $0x0  }
0x16: {  	s3 =	sld [smem:$0x3FDB];
	s0 =	simm.s32 @p2 $0x1  }
0x17: {  	s4 =	simm.s32 $0x1BF5;
	[smem:$0x3FB5] =	sst s0  }
0x18: {  	s0 =	sld [smem:$0x3F98];
	_ =	swait.ge [sflag:s4], $0x0  }
0x19: {  	s7 =	sld [smem:$0x3F99]  }
0x1a: {  	s8 =	sadd.s32 $0xFFFFE003, lr  }
0x1b: {  	s9 =	sadd.s32 $0xFFFFFEF7, lr;
	s5 =	simm.s32 $0xFFFFFFFF;
	p2 =	slt.u32 s8, $0xFFFFF086  }
0x1c: {  	p1 =	slt.u32 s9, $0xF7A;
	s5 =	simm.s32 @!p2 $0x0  }
0x1d: {  	s5 =	simm.s32 @p1 $0x1;
	p0 =	seq.s32 s7, s2  }
0x1e: {  	s7 =	smul.u32 @!p0 $0xF7A, s2;
	p2 =	seq.s32 @!p0 s5, $0x0  }
0x1f: {  	s9 =	smul.u32 $0xF7A, s1;
	s8 =	simm.s32 @!p0 $0x1BF5;
	p2 =	por !p2, p0  }
0x20: {  	[sflag:s8] =	ssyncset.s32 @!p0 $0xFFFFF086;
	s6 =	sadd.s32 @!p0 s3, s7;
	s7 =	simm.s32 @!p0 $0x108  }
0x21: {  	s3 =	sadd.s32 s3, s9;
	s6 =	sadd.s32 @!p0 $0x88, s6;
	s7 =	simm.s32 @p2 $0x1082  }
0x22: {  	[simem:s7], [sflag:s8] =	dma.local @!p0 [hbm:s6], $0xF7A  }
0x23: {  	s9 =	sor.u32 $0xD0000000, s2;
	s6 =	simm.s32 $0x108;
	_ =	swait.ge @!p0 [sflag:s8], $0x0  }
0x24: {  	s3 =	sadd.s32 $0x88, s3;
	s6 =	simm.s32 @!p1 $0x1082;
	[sflag:s4] =	ssyncset.s32 $0xFFFFF086  }
0x25: {  	[simem:s6], [sflag:s4] =	dma.local [hbm:s3], $0xF7A  }
0x26: {  	[smem:$0x3F99] =	sst s1;
	(tag) =	ssettag s2;
	_ =	strace s9  }
0x27: {  	s1 =	sld [smem:$0x3FA9]  }
0x28: {  	s2 =	sld [smem:$0x3FAA]  }
0x29: {  	s4 =	sld [smem:$0x3FAC]  }
0x2a: {  	p0 =	seq.s32 s5, $0x0;
	s5 =	sld [smem:$0x3FAD]  }
0x2b: {  	s6 =	sld [smem:$0x3FAE]  }
0x2c: {  	s7 =	sld [smem:$0x3FAF]  }
0x2d: {  	s3 =	simm.s32 $0x108;
	s8 =	sld [smem:$0x3FB0]  }
0x2e: {  	s3 =	simm.s32 @!p0 $0x1082;
	s9 =	sld [smem:$0x3FB1]  }
0x2f: {  	lr =	sadd.s32 s0, s3;
	s0 =	sld [smem:$0x3FA8]  }
0x30: {  	s3 =	sld [smem:$0x3FAB]  }
0x31: {  	[smem:$0x3FB4] =	sst s10  }
0x32: {  	s10 =	sld [smem:$0x3FB2];
	_ =	sdelay $0x3  }
0x33: {  	p0 =	seq.s32 s10, $0x1;
	s10 =	sld [smem:$0x3FB4];
	_ =	sdelay $0x3  }
0x34: {  	[smem:$0x3FB4] =	sst s10  }
0x35: {  	s10 =	sld [smem:$0x3FB3];
	_ =	sdelay $0x3  }
0x36: {  	p1 =	seq.s32 s10, $0x1;
	s10 =	sld [smem:$0x3FB4];
	_ =	sdelay $0x3  }
0x37: {  	[smem:$0x3FB4] =	sst s10  }
0x38: {  	s10 =	sld [smem:$0x3FB5]  }
0x39: {  	_ = 	snop;
	(pc) =	sbr.ind lr, $3  }
0x3a: {  	_ = 	snop  }
0x3b: {  	_ = 	snop  }
0x3c: {  	p2 =	seq.s32 s10, $0x1;
	s10 =	sld [smem:$0x3FB4]  }
0x3d: {  	_ =	shalt  }
0x3e: {  	_ =	shalt  }
0x3f: {  	_ =	shalt  }
0x40: {  	_ =	shalt  }
0x41: {  	_ =	shalt  }
0x42: {  	_ =	shalt  }
0x43: {  	_ =	shalt  }
0x44: {  	_ =	shalt  }
0x45: {  	_ =	shalt  }
0x46: {  	_ =	shalt  }
0x47: {  	_ =	shalt  }
0x48: {  	_ =	shalt  }
0x49: {  	_ =	shalt  }
0x4a: {  	_ =	shalt  }
0x4b: {  	_ =	shalt  }
0x4c: {  	_ =	shalt  }
0x4d: {  	_ =	shalt  }
0x4e: {  	_ =	shalt  }
0x4f: {  	_ =	shalt  }
0x50: {  	_ =	shalt  }
0x51: {  	_ =	shalt  }
0x52: {  	_ =	shalt  }
0x53: {  	_ =	shalt  }
0x54: {  	_ =	shalt  }
0x55: {  	_ =	shalt  }
0x56: {  	_ =	shalt  }
0x57: {  	_ =	shalt  }
0x58: {  	_ =	shalt  }
0x59: {  	_ =	shalt  }
0x5a: {  	_ =	shalt  }
0x5b: {  	_ =	shalt  }
0x5c: {  	_ =	shalt  }
0x5d: {  	_ =	shalt  }
0x5e: {  	_ =	shalt  }
0x5f: {  	_ =	shalt  }
0x60: {  	_ =	shalt  }
0x61: {  	_ =	shalt  }
0x62: {  	_ =	shalt  }
0x63: {  	_ =	shalt  }
0x64: {  	_ =	shalt  }
0x65: {  	_ =	shalt  }
0x66: {  	_ =	shalt  }
0x67: {  	_ =	shalt  }
0x68: {  	_ =	shalt  }
0x69: {  	_ =	shalt  }
0x6a: {  	_ =	shalt  }
0x6b: {  	_ =	shalt  }
0x6c: {  	_ =	shalt  }
0x6d: {  	_ =	shalt  }
0x6e: {  	_ =	shalt  }
0x6f: {  	_ =	shalt  }
0x70: {  	_ =	shalt  }
0x71: {  	_ =	shalt  }
0x72: {  	_ =	shalt  }
0x73: {  	_ =	shalt  }
0x74: {  	_ =	shalt  }
0x75: {  	_ =	shalt  }
0x76: {  	_ =	shalt  }
0x77: {  	_ =	shalt  }
0x78: {  	_ =	shalt  }
0x79: {  	_ =	shalt  }
0x7a: {  	_ =	shalt  }
0x7b: {  	_ =	shalt  }
0x7c: {  	_ =	shalt  }
0x7d: {  	_ =	shalt  }
0x7e: {  	_ =	shalt  }
0x7f: {  	_ =	shalt  }
0x80: {  	_ =	shalt  }
0x81: {  	_ =	shalt  }
0x82: {  	_ =	shalt  }
0x83: {  	_ =	shalt  }
0x84: {  	_ =	shalt  }
0x85: {  	_ =	shalt  }
0x86: {  	_ =	shalt  }
0x87: {  	_ =	shalt  }
.Lfunc_end0:
.L_simem_size_0:
called_computation.2_lowered:
.L_overlay_start_0:
0x88: {  	s2 =	sld [smem:$0x3FD9]  }
0x89: {  	s3 =	sld [smem:$0x3FFE];
	_ =	sdelay $0x1  }
0x8a: {  	s1 =	srdreg.scid  }
0x8b: {  	s0 =	sand.u32 $0x1, s1  }
0x8c: {  	s15 =	sshll.u32 s0, $0xA;
	s2 =	sadd.s32 s3, s2  }
0x8d: {  	s2 =	sadd.s32 s2, s15  }
0x8e: {  	[smem:$0x3FC0] =	sst s2  }
0x8f: {  	_ = 	snop  }
0x90: {  	s2 =	sld [smem:$0x3FD0];
	_ =	sdelay $0x2  }
0x91: {  	s16 =	simm.s32 $0xB;
	s4 =	simm.s32 $0x10  }
0x92: {  	[smem:s4], [sflag:s16] =	dma.local [hbm:s2], $0x1  }
0x93: {  	_ =	swait.eq [sflag:s16], $0x1  }
0x94: {  	[sflag:s16] =	ssyncset.done $0x0  }
0x95: {  	[sflag:s16] =	ssyncadd.s32 $0xFFFFFFFF  }
0x96: {  	s17 =	sld [smem:$0x11];
	(tm) =	ssettm $0x1  }
0x97: {  	s18 =	sld [smem:$0x3FFB];
	_ =	sdelay $0x3  }
0x98: {  	_ =	strace s18  }
0x99: {  	s2 =	sld [smem:$0x3FFC];
	_ =	sdelay $0x3  }
0x9a: {  	_ =	strace s2  }
0x9b: {  	s2 =	sld [smem:$0x3FFD];
	_ =	sdelay $0x3  }
0x9c: {  	_ =	strace s2  }
0x9d: {  	_ =	strace $0x8FFFFFFF  }
0x9e: {  	s19 =	sld [smem:$0x3FDB];
	_ =	sdelay $0x1  }
0x9f: {  	s20 =	simm.s32 $_scs_section_size  }
0xa0: {  	s5 =	simm.s32 $_size__tile_overlayer_lowered;
	s6 =	simm.s32 $_tile_overlayer_lowered  }
0xa1: {  	s7 =	simm.s32 $0x1BFF;
	s21 =	sshll.u32 s6, $0x1;
	s4 =	sadd.s32 s20, s19  }
0xa2: {  	s22 =	simm.s32 $0x0;
	s5 =	sshll.u32 s5, $0x1;
	s6 =	sadd.s32 s21, s4  }
0xa3: {  	[timem:s22], [sflag:s7] =	dma.local [hbm:s6], s5  }
0xa4: {  	_ =	swait.ge [sflag:s7], s5  }
0xa5: {  	s5 =	ssub.s32 $0x0, s5;
	[sflag:s7] =	ssyncset.done $0x0  }
0xa6: {  	[sflag:s7] =	ssyncadd.s32 s5;
	_ =	sdelay $0x1  }
0xa7: {  	s23 =	simm.s32 $0x1B8B  }
0xa8: {  	_ =	swait.ge [sflag:s23], $0x1  }
0xa9: {  	[sflag:s23] =	ssyncset.done $0x0  }
0xaa: {  	[sflag:s23] =	ssyncadd.s32 $0xFFFFFFFF  }
0xab: {  	s5 =	sld [smem:$0x0]  }
0xac: {  	s6 =	sand.u32 $0xFFFFFFFE, s1  }
0xad: {  	p0 =	sne.s32 s1, s6  }
0xae: {  	s6 =	sshll.u32 @p0 s6, $0xE  }
0xaf: {  	s6 =	sadd.s32 @p0 $0x11B8D, s6;
	s7 =	sshll.u32 @p0 s5, $0x11  }
0xb0: {  	s6 =	sor.u32 @p0 s7, s6  }
0xb1: {  	[sflag:s6] =	ssyncadd.remote.s32 @p0 $0x1;
	_ =	sdelay $0x1  }
0xb2: {  	s6 =	simm.s32 @p0 $0x1B8D  }
0xb3: {  	_ =	swait.eq @p0 [sflag:s6], $0x1  }
0xb4: {  	[sflag:s6] =	ssyncadd.s32 @p0 $0xFFFFFFFF  }
0xb5: {  	s7 =	sshll.u32 @!p0 s1, $0xE  }
0xb6: {  	s7 =	sor.u32 @!p0 $0x4000, s7;
	s6 =	simm.s32 @!p0 $0x1B8D  }
0xb7: {  	s5 =	sshll.u32 @!p0 s5, $0x11;
	s7 =	sadd.s32 @!p0 $0x11B8D, s7;
	_ =	swait.eq @!p0 [sflag:s6], $0x1  }
0xb8: {  	s5 =	sor.u32 @!p0 s5, s7;
	[sflag:s6] =	ssyncadd.s32 @!p0 $0xFFFFFFFF  }
0xb9: {  	s25 =	simm.s32 $0x1B8E;
	s24 =	sld [smem:$0x3FFE];
	[sflag:s5] =	ssyncadd.remote.s32 @!p0 $0x1  }
0xba: {  	s26 =	simm.s32 $execute0_lowered;
	[smem:$0x3FD2] =	sst s25  }
0xbb: {  	s6 =	sshll.u32 s26, $0x1;
	_ =	strace $0x8000004C;
	[dreg:$0x1] =	wrdreg $0xFFFFFFFF  }
0xbc: {  	s28 =	simm.s32 $_size_execute0_lowered;
	s4 =	sadd.s32 s4, s6;
	[dreg:$0x0] =	wrdreg $0x0  }
0xbd: {  	s6 =	sshll.u32 s28, $0x1;
	[dreg:$0x2] =	wrdreg s4  }
0xbe: {  	[dreg:$0x3] =	wrdreg s6  }
0xbf: {  	[dreg:$0x4] =	wrdreg $0xC0  }
0xc0: {  	_ =	task [dreg:s22], $0x5FFFF  }
0xc1: {  	[dreg:$0x1] =	wrdreg $0xFFFFFFFF  }
0xc2: {  	[dreg:$0x0] =	wrdreg $0x60  }
0xc3: {  	[dreg:$0x2] =	wrdreg s24  }
0xc4: {  	[dreg:$0x3] =	wrdreg s17  }
0xc5: {  	[dreg:$0x4] =	wrdreg $0x68000  }
0xc6: {  	[dreg:$0x5] =	wrdreg $0xA  }
0xc7: {  	_ =	task.clear_ibuf [dreg:s22], $0x6FFFF;
	_ =	strace $0x9000004C  }
0xc8: {  	s29 =	simm.s32 $0xA;
	_ =	strace $0x8000004E  }
0xc9: {  	_ =	swait.ge [sflag:s29], $0x1  }
0xca: {  	[sflag:s29] =	ssyncadd.s32 $0xFFFFFFFF  }
0xcb: {  	_ =	strace $0x9000004E  }
0xcc: {  	_ =	sfence  }
0xcd: {  	s30 =	sld [smem:$0x0];
	_ =	sdelay $0x2  }
0xce: {  	s31 =	sshll.u32 s1, $0xD;
	s1 =	sshrl.u32 s1, $0x2  }
0xcf: {  	s4 =	sand.u32 $0x4000, s31;
	s1 =	sadd.s32 s1, s30  }
0xd0: {  	s0 =	sor.u32 s4, s0;
	s1 =	sshll.u32 s1, $0x11  }
0xd1: {  	s0 =	sor.u32 s1, s0  }
0xd2: {  	s0 =	sadd.s32 $0x8F2B, s0  }
0xd3: {  	[sflag:s0] =	ssyncadd.remote.s32 $0x1  }
0xd4: {  	_ =	sfence.sel $0xFFFF  }
0xd5: {  	[dreg:$0x0] =	wrdreg $0xFFFFFFFF;
	(pc) =	sbr.abs _section_cstart, $3  }
0xd6: {  	[dreg:$0x1] =	wrdreg $0xFFFFFFFF  }
0xd7: {  	_ =	task.clear_ibuf [dreg:s22], $0x2FFFF;
	_ =	strace $0x9FFFFFFF  }
0xd8: {  	(tm) =	ssettm $0x7FFFFFFF  }
0xd9: {  	_ =	shalt  }
tec
execute0_lowered:
.L_overlay_start_1:
0x0: {  	(tag) =	ssettag $0x1  }
0x1: {  	s5 =	rddreg [dreg:$0x0]  }
0x2: {  	s6 =	rddreg [dreg:$0x1]  }
0x3: {  	s2 =	rddreg [dreg:$0x2];
	s3 =	srdreg.scid  }
0x4: {  	s0 =	rddreg [dreg:$0x3];
	s1 =	stileid.u32;
	s14 =	simm.s32 $0x80  }
0x5: {  	s15 =	simm.s32 $0x2800;
	s16 =	simm.s32 $0x1;
	s17 =	simm.s32 $0x0  }
0x6: {  	s7 =	sand.u32 $0x1, s3;
	s3 =	simm.s32 $0x0;
	s10 =	smul.u32 $0x13C00, s1  }
0x7: {  	s4 =	sshll.u32 s1, $0x1;
	s29 =	smul.u32 $0x4F000, s1;
	s31 =	sshll.u32 s1, $0x6  }
0x8: {  	s8 =	smul.u32 $0x13C000, s7;
	[smem:$0x7FF] =	sst s3;
	s9 =	sor.u32 s7, s4  }
0x9: {  	s4 =	sadd.s32 $0xAB000, s5;
	s7 =	ssub.s32 $0x2, s7;
	_ =	strace $0x8000004D  }
0xa: {  	s9 =	smul.u32 $0x280, s9;
	s11 =	sshrl.u32 s7, $0x1;
	s30 =	sshrl.u32 s29, $0x2  }
0xb: {  	s8 =	sadd.s32 s10, s8;
	s11 =	ssub.s32 s7, s11;
	s13 =	sadd.s32 s30, s2  }
0xc: {  	s9 =	sadd.s32 s9, s5;
	s8 =	sshrl.u32 s8, $0x3;
	s10 =	smax.u32 s11, $0x1  }
0xd: {  	s11 =	sshrl.u32 s13, $0x3;
	s13 =	simm.s32 $0x1400;
	s12 =	sadd.s32 s8, s5  }
0xe: {  	s5 =	sadd.s32 s6, s8;
	s6 =	sor.u32 $0x1C02, s31;
	s7 =	sadd.s32 $0xA6000, s9  }
0xf: {  	s8 =	sadd.s32 $0x3000, s9;
	s9 =	sadd.s32 $0x170200, s12;
	s12 =	simm.s32 $0x2  }
.LBB2_1:
0x10: {  	[hbm:s5], [sflag:s6] =	dma.local [spmem:s11], $0x2780  }
0x11: {  	_ =	swait.ge [sflag:s12], $0x2780  }
0x12: {  	[sflag:s12] =	ssyncset.done $0x0  }
0x13: {  	[sflag:s12] =	ssyncadd.s32 $0xFFFFD880  }
0x14: {  	[tilespmem:s3], [sflag:$0x2] =	stream.linear.gather [hbm4b:s7+s3], $0x1400, $0x38;
	[tilespmem:$0x1A400] =	vst v63  }
0x15: {  	_ =	swait.ge [sflag:s12], $0x1400  }
0x16: {  	[sflag:s12] =	ssyncset.done $0x0  }
0x17: {  	[sflag:s12] =	ssyncadd.s32 $0xFFFFEC00  }
0x18: {  	[tilespmem:s13], [sflag:$0x2] =	stream.linear.gather [hbm4b:s8+s3], $0x1400, $0x38;
	[tilespmem:$0x1A400] =	vst v63  }
0x19: {  	_ =	swait.ge [sflag:s12], $0x1400  }
0x1a: {  	[sflag:s12] =	ssyncset.done $0x0  }
0x1b: {  	[sflag:s12] =	ssyncadd.s32 $0xFFFFEC00  }
0x1c: {  	s18 =	simm.s32 $0x0;
	[bflag:$0x0] =	sbarrier.arrive $0xFFFF  }
0x1d: {  	[tilespmem:s15], [sflag:$0x1] =	stream.indirect.gather [hbm4b:s4+s14], $0x80, s18, s14, $0xb8;
	[tilespmem:$0x1A400] =	vst v63  }
0x1e: {  	_ =	swait.ge [sflag:s16], $0x4000  }
0x1f: {  	[sflag:s16] =	ssyncset.done $0x0  }
0x20: {  	s31 =	simm.s32 $0x1400;
	[sflag:s16] =	ssyncadd.s32 $0xFFFFC000  }
0x21: {  	[spmem:s2] =	stream.indirect.scatter.add.f32 [tilespmem:s15], [sflag:$0x2], $0x80, s31, s14, $0xb8;
	[tilespmem:$0x1A400] =	vst v63  }
0x22: {  	_ =	swait.ge [sflag:s12], $0x4000  }
0x23: {  	s19 =	simm.s32 $0x400;
	s18 =	simm.s32 $0x200;
	[sflag:s12] =	ssyncset.done $0x0  }
.LBB2_2:
0x24: {  	s20 =	sshra.s32 s18, $0x2  }
0x25: {  	[sflag:s12] =	ssyncadd.s32 $0xFFFFC000;
	s18 =	smov.u32 s19;
	s21 =	sadd.s32 $0x200, s19  }
0x26: {  	[tilespmem:s15], [sflag:$0x1] =	stream.indirect.gather [hbm4b:s4+s14], $0x80, s20, s14, $0xb8;
	[tilespmem:$0x1A400] =	vst v63  }
0x27: {  	p0 =	sne.s32 s19, $0x4E00;
	_ =	swait.ge [sflag:s16], $0x4000  }
.Ltmp0:
0x28: {  	[sflag:s16] =	ssyncset.done $0x0;
	(pc) =	sbr.rel @p0 .LBB2_2-.Ltmp0, $4  }
0x29: {  	s19 =	sadd.s32 $0x1400, s20;
	[sflag:s16] =	ssyncadd.s32 $0xFFFFC000  }
0x2a: {  	[spmem:s2] =	stream.indirect.scatter.add.f32 [tilespmem:s15], [sflag:$0x2], $0x80, s19, s14, $0xb8;
	[tilespmem:$0x1A400] =	vst v63  }
0x2b: {  	_ =	swait.ge [sflag:s12], $0x4000  }
0x2c: {  	s19 =	smov.u32 s21;
	[sflag:s12] =	ssyncset.done $0x0  }
0x2d: {  	s18 =	sshra.s32 s18, $0x2;
	[sflag:s12] =	ssyncadd.s32 $0xFFFFC000  }
0x2e: {  	[tilespmem:s15], [sflag:$0x1] =	stream.indirect.gather [hbm4b:s4+s14], $0x80, s18, s14, $0xb8;
	[tilespmem:$0x1A400] =	vst v63  }
0x2f: {  	_ =	swait.ge [sflag:s16], $0x4000  }
0x30: {  	[sflag:s16] =	ssyncset.done $0x0  }
0x31: {  	s18 =	sadd.s32 $0x1400, s18;
	[sflag:s16] =	ssyncadd.s32 $0xFFFFC000  }
0x32: {  	[spmem:s2] =	stream.indirect.scatter.add.f32 [tilespmem:s15], [sflag:$0x2], $0x80, s18, s14, $0xb8;
	[tilespmem:$0x1A400] =	vst v63  }
0x33: {  	_ =	swait.ge [sflag:s12], $0x4000  }
0x34: {  	s17 =	sadd.s32 $0x1, s17;
	[sflag:s12] =	ssyncset.done $0x0  }
0x35: {  	p0 =	sne.s32 s17, s10;
	[sflag:s12] =	ssyncadd.s32 $0xFFFFC000  }
.Ltmp1:
0x36: {  	[bflag:$0x0] =	sbarrier.arrive $0xFFFF;
	(pc) =	sbr.rel @p0 .LBB2_1-.Ltmp1, $4  }
0x37: {  	[hbm:s9], [sflag:s6] =	dma.local [spmem:s11], $0x2780  }
0x38: {  	_ =	swait.ge [sflag:s12], $0x2780  }
0x39: {  	[sflag:s12] =	ssyncset.done $0x0  }
0x3a: {  	[sflag:s12] =	ssyncadd.s32 $0xFFFFD880  }
0x3b: {  	_ =	sfence.sel $0x180000  }
0x3c: {  	[bflag:$0x0] =	sbarrier.arrive $0xFFFF  }
0x3d: {  	p0 =	sne.s32 s1, $0x0;
	_ =	strace $0x9000004D  }
0x3e: {  	s0 =	sadd.s32 @!p0 $0x100000, s0;
	[bflag:$0x2] =	sbarrier.arrive $0xFFFF  }
0x3f: {  	[sflag:s0] =	ssyncadd.tile.s32 @!p0 $0x1;
	_ =	shalt  }
.Lfunc_end2:
_tile_overlayer_lowered:
.L_overlay_start_2:
0x40: {  	(tag) =	ssettag $0x2  }
0x41: {  	s0 =	rddreg [dreg:$0x0];
	s2 =	stileid.u32  }
0x42: {  	s1 =	rddreg [dreg:$0x1];
	p0 =	sne.s32 s2, $0x0  }
0x43: {  	s3 =	rddreg [dreg:$0x2];
	[bflag:$0x3] =	sbarrier.arrive $0xFFFF;
	s2 =	simm.s32 @!p0 $0x1C02  }
0x44: {  	[timem:s3], [sflag:s2] =	dma.local @!p0 [hbm:s0], s1  }
0x45: {  	s0 =	simm.s32 @!p0 $0x2  }
0x46: {  	_ =	swait.ge @!p0 [sflag:s0], s1  }
0x47: {  	s1 =	ssub.s32 @!p0 $0x0, s1;
	[sflag:s0] =	ssyncset.done @!p0 $0x0  }
0x48: {  	[sflag:s0] =	ssyncadd.s32 @!p0 s1  }
0x49: {  	[bflag:$0x3] =	sbarrier.arrive $0xFFFF  }
0x4a: {  	_ =	shalt  }

// kernel: kernel.8.cloned.1.call-start
scs
__scs_entry_jumppad:
0x0: {  	(pc) =	sbr.rel $0x88, $3  }
0x1: {  	(tag) =	ssettag $0x0;
	lr =	simm.s32 $0x1  }
0x2: {  	[smem:$0x3F99] =	sst lr;
	_ =	strace $0xD0000000  }
0x3: {  	_ = 	snop  }
0x4: {  	_ = 	snop  }
0x5: {  	_ = 	snop  }
0x6: {  	_ = 	snop  }
0x7: {  	_ = 	snop  }
__scs_overlays_trampoline_lowered:
0x8: {  	[smem:$0x3FA8] =	sst s0  }
0x9: {  	[smem:$0x3FA9] =	sst s1  }
0xa: {  	[smem:$0x3FAA] =	sst s2  }
0xb: {  	[smem:$0x3FAB] =	sst s3  }
0xc: {  	[smem:$0x3FAC] =	sst s4  }
0xd: {  	[smem:$0x3FAD] =	sst s5  }
0xe: {  	[smem:$0x3FAE] =	sst s6  }
0xf: {  	[smem:$0x3FAF] =	sst s7  }
0x10: {  	[smem:$0x3FB0] =	sst s8  }
0x11: {  	[smem:$0x3FB1] =	sst s9;
	s0 =	simm.s32 @!p0 $0x0  }
0x12: {  	s1 =	sld [smem:$0x3F97];
	s0 =	simm.s32 @p0 $0x1  }
0x13: {  	[smem:$0x3FB2] =	sst s0;
	s0 =	simm.s32 @!p1 $0x0  }
0x14: {  	s2 =	sld [smem:$0x3F96];
	s0 =	simm.s32 @p1 $0x1  }
0x15: {  	[smem:$0x3FB3] =	sst s0;
	s0 =	simm.s32 @!p2 $0x0  }
0x16: {  	s3 =	sld [smem:$0x3FDB];
	s0 =	simm.s32 @p2 $0x1  }
0x17: {  	s4 =	simm.s32 $0x1BF5;
	[smem:$0x3FB5] =	sst s0  }
0x18: {  	s0 =	sld [smem:$0x3F98];
	_ =	swait.ge [sflag:s4], $0x0  }
0x19: {  	s7 =	sld [smem:$0x3F99]  }
0x1a: {  	s8 =	sadd.s32 $0xFFFFE003, lr  }
0x1b: {  	s9 =	sadd.s32 $0xFFFFFEF7, lr;
	s5 =	simm.s32 $0xFFFFFFFF;
	p2 =	slt.u32 s8, $0xFFFFF086  }
0x1c: {  	p1 =	slt.u32 s9, $0xF7A;
	s5 =	simm.s32 @!p2 $0x0  }
0x1d: {  	s5 =	simm.s32 @p1 $0x1;
	p0 =	seq.s32 s7, s2  }
0x1e: {  	s7 =	smul.u32 @!p0 $0xF7A, s2;
	p2 =	seq.s32 @!p0 s5, $0x0  }
0x1f: {  	s9 =	smul.u32 $0xF7A, s1;
	s8 =	simm.s32 @!p0 $0x1BF5;
	p2 =	por !p2, p0  }
0x20: {  	[sflag:s8] =	ssyncset.s32 @!p0 $0xFFFFF086;
	s6 =	sadd.s32 @!p0 s3, s7;
	s7 =	simm.s32 @!p0 $0x108  }
0x21: {  	s3 =	sadd.s32 s3, s9;
	s6 =	sadd.s32 @!p0 $0x88, s6;
	s7 =	simm.s32 @p2 $0x1082  }
0x22: {  	[simem:s7], [sflag:s8] =	dma.local @!p0 [hbm:s6], $0xF7A  }
0x23: {  	s9 =	sor.u32 $0xD0000000, s2;
	s6 =	simm.s32 $0x108;
	_ =	swait.ge @!p0 [sflag:s8], $0x0  }
0x24: {  	s3 =	sadd.s32 $0x88, s3;
	s6 =	simm.s32 @!p1 $0x1082;
	[sflag:s4] =	ssyncset.s32 $0xFFFFF086  }
0x25: {  	[simem:s6], [sflag:s4] =	dma.local [hbm:s3], $0xF7A  }
0x26: {  	[smem:$0x3F99] =	sst s1;
	(tag) =	ssettag s2;
	_ =	strace s9  }
0x27: {  	s1 =	sld [smem:$0x3FA9]  }
0x28: {  	s2 =	sld [smem:$0x3FAA]  }
0x29: {  	s4 =	sld [smem:$0x3FAC]  }
0x2a: {  	p0 =	seq.s32 s5, $0x0;
	s5 =	sld [smem:$0x3FAD]  }
0x2b: {  	s6 =	sld [smem:$0x3FAE]  }
0x2c: {  	s7 =	sld [smem:$0x3FAF]  }
0x2d: {  	s3 =	simm.s32 $0x108;
	s8 =	sld [smem:$0x3FB0]  }
0x2e: {  	s3 =	simm.s32 @!p0 $0x1082;
	s9 =	sld [smem:$0x3FB1]  }
0x2f: {  	lr =	sadd.s32 s0, s3;
	s0 =	sld [smem:$0x3FA8]  }
0x30: {  	s3 =	sld [smem:$0x3FAB]  }
0x31: {  	[smem:$0x3FB4] =	sst s10  }
0x32: {  	s10 =	sld [smem:$0x3FB2];
	_ =	sdelay $0x3  }
0x33: {  	p0 =	seq.s32 s10, $0x1;
	s10 =	sld [smem:$0x3FB4];
	_ =	sdelay $0x3  }
0x34: {  	[smem:$0x3FB4] =	sst s10  }
0x35: {  	s10 =	sld [smem:$0x3FB3];
	_ =	sdelay $0x3  }
0x36: {  	p1 =	seq.s32 s10, $0x1;
	s10 =	sld [smem:$0x3FB4];
	_ =	sdelay $0x3  }
0x37: {  	[smem:$0x3FB4] =	sst s10  }
0x38: {  	s10 =	sld [smem:$0x3FB5]  }
0x39: {  	_ = 	snop;
	(pc) =	sbr.ind lr, $3  }
0x3a: {  	_ = 	snop  }
0x3b: {  	_ = 	snop  }
0x3c: {  	p2 =	seq.s32 s10, $0x1;
	s10 =	sld [smem:$0x3FB4]  }
0x3d: {  	_ =	shalt  }
0x3e: {  	_ =	shalt  }
0x3f: {  	_ =	shalt  }
0x40: {  	_ =	shalt  }
0x41: {  	_ =	shalt  }
0x42: {  	_ =	shalt  }
0x43: {  	_ =	shalt  }
0x44: {  	_ =	shalt  }
0x45: {  	_ =	shalt  }
0x46: {  	_ =	shalt  }
0x47: {  	_ =	shalt  }
0x48: {  	_ =	shalt  }
0x49: {  	_ =	shalt  }
0x4a: {  	_ =	shalt  }
0x4b: {  	_ =	shalt  }
0x4c: {  	_ =	shalt  }
0x4d: {  	_ =	shalt  }
0x4e: {  	_ =	shalt  }
0x4f: {  	_ =	shalt  }
0x50: {  	_ =	shalt  }
0x51: {  	_ =	shalt  }
0x52: {  	_ =	shalt  }
0x53: {  	_ =	shalt  }
0x54: {  	_ =	shalt  }
0x55: {  	_ =	shalt  }
0x56: {  	_ =	shalt  }
0x57: {  	_ =	shalt  }
0x58: {  	_ =	shalt  }
0x59: {  	_ =	shalt  }
0x5a: {  	_ =	shalt  }
0x5b: {  	_ =	shalt  }
0x5c: {  	_ =	shalt  }
0x5d: {  	_ =	shalt  }
0x5e: {  	_ =	shalt  }
0x5f: {  	_ =	shalt  }
0x60: {  	_ =	shalt  }
0x61: {  	_ =	shalt  }
0x62: {  	_ =	shalt  }
0x63: {  	_ =	shalt  }
0x64: {  	_ =	shalt  }
0x65: {  	_ =	shalt  }
0x66: {  	_ =	shalt  }
0x67: {  	_ =	shalt  }
0x68: {  	_ =	shalt  }
0x69: {  	_ =	shalt  }
0x6a: {  	_ =	shalt  }
0x6b: {  	_ =	shalt  }
0x6c: {  	_ =	shalt  }
0x6d: {  	_ =	shalt  }
0x6e: {  	_ =	shalt  }
0x6f: {  	_ =	shalt  }
0x70: {  	_ =	shalt  }
0x71: {  	_ =	shalt  }
0x72: {  	_ =	shalt  }
0x73: {  	_ =	shalt  }
0x74: {  	_ =	shalt  }
0x75: {  	_ =	shalt  }
0x76: {  	_ =	shalt  }
0x77: {  	_ =	shalt  }
0x78: {  	_ =	shalt  }
0x79: {  	_ =	shalt  }
0x7a: {  	_ =	shalt  }
0x7b: {  	_ =	shalt  }
0x7c: {  	_ =	shalt  }
0x7d: {  	_ =	shalt  }
0x7e: {  	_ =	shalt  }
0x7f: {  	_ =	shalt  }
0x80: {  	_ =	shalt  }
0x81: {  	_ =	shalt  }
0x82: {  	_ =	shalt  }
0x83: {  	_ =	shalt  }
0x84: {  	_ =	shalt  }
0x85: {  	_ =	shalt  }
0x86: {  	_ =	shalt  }
0x87: {  	_ =	shalt  }
.Lfunc_end0:
.L_simem_size_0:
called_computation_lowered:
.L_overlay_start_0:
0x88: {  	s2 =	sld [smem:$0x3FD9]  }
0x89: {  	s3 =	sld [smem:$0x3FFE];
	_ =	sdelay $0x1  }
0x8a: {  	s1 =	srdreg.scid  }
0x8b: {  	s0 =	sand.u32 $0x1, s1  }
0x8c: {  	s14 =	sshll.u32 s0, $0xA;
	s2 =	sadd.s32 s3, s2  }
0x8d: {  	s2 =	sadd.s32 s2, s14  }
0x8e: {  	[smem:$0x3FC0] =	sst s2  }
0x8f: {  	_ = 	snop  }
0x90: {  	s2 =	sld [smem:$0x3FD0];
	_ =	sdelay $0x2  }
0x91: {  	s15 =	simm.s32 $0xB;
	s4 =	simm.s32 $0x10  }
0x92: {  	[smem:s4], [sflag:s15] =	dma.local [hbm:s2], $0x1  }
0x93: {  	_ =	swait.eq [sflag:s15], $0x1  }
0x94: {  	[sflag:s15] =	ssyncset.done $0x0  }
0x95: {  	[sflag:s15] =	ssyncadd.s32 $0xFFFFFFFF  }
0x96: {  	s16 =	sld [smem:$0x10];
	(tm) =	ssettm $0x1  }
0x97: {  	s17 =	sld [smem:$0x3FFB];
	_ =	sdelay $0x3  }
0x98: {  	_ =	strace s17  }
0x99: {  	s3 =	sld [smem:$0x3FFC];
	_ =	sdelay $0x3  }
0x9a: {  	_ =	strace s3  }
0x9b: {  	s3 =	sld [smem:$0x3FFD];
	_ =	sdelay $0x3  }
0x9c: {  	_ =	strace s3  }
0x9d: {  	_ =	strace $0x8FFFFFFF  }
0x9e: {  	s18 =	sld [smem:$0x3FDB];
	_ =	sdelay $0x1  }
0x9f: {  	s19 =	simm.s32 $_scs_section_size  }
0xa0: {  	s5 =	simm.s32 $_size__tile_overlayer_lowered;
	s6 =	simm.s32 $_tile_overlayer_lowered  }
0xa1: {  	s22 =	simm.s32 $0x1BFF;
	s21 =	sshll.u32 s6, $0x1;
	s3 =	sadd.s32 s19, s18  }
0xa2: {  	s7 =	simm.s32 $0x0;
	s20 =	sshll.u32 s5, $0x1;
	s5 =	sadd.s32 s21, s3  }
0xa3: {  	[timem:s7], [sflag:s22] =	dma.local [hbm:s5], s20  }
0xa4: {  	_ =	swait.ge [sflag:s22], s20  }
0xa5: {  	s4 =	ssub.s32 $0x0, s20;
	[sflag:s22] =	ssyncset.done $0x0  }
0xa6: {  	[sflag:s22] =	ssyncadd.s32 s4;
	_ =	sdelay $0x1  }
0xa7: {  	s23 =	simm.s32 $0x1B8B  }
0xa8: {  	_ =	swait.ge [sflag:s23], $0x1  }
0xa9: {  	[sflag:s23] =	ssyncset.done $0x0  }
0xaa: {  	s25 =	simm.s32 $0x1B8E;
	s24 =	sld [smem:$0x3FFE];
	[sflag:s23] =	ssyncadd.s32 $0xFFFFFFFF  }
0xab: {  	s26 =	simm.s32 $execute0_lowered;
	[smem:$0x3FD2] =	sst s25  }
0xac: {  	s5 =	sshll.u32 s26, $0x1;
	_ =	strace $0x80000046;
	[dreg:$0x1] =	wrdreg $0xFFFFFFFF  }
0xad: {  	s28 =	simm.s32 $_size_execute0_lowered;
	s3 =	sadd.s32 s3, s5;
	[dreg:$0x0] =	wrdreg $0x0  }
0xae: {  	s5 =	sshll.u32 s28, $0x1;
	[dreg:$0x2] =	wrdreg s3  }
0xaf: {  	[dreg:$0x3] =	wrdreg s5  }
0xb0: {  	[dreg:$0x4] =	wrdreg $0xC0  }
0xb1: {  	_ =	task [dreg:s7], $0x5FFFF  }
0xb2: {  	[dreg:$0x1] =	wrdreg $0xFFFFFFFF  }
0xb3: {  	[dreg:$0x0] =	wrdreg $0x60  }
0xb4: {  	[dreg:$0x2] =	wrdreg s24  }
0xb5: {  	[dreg:$0x3] =	wrdreg s16  }
0xb6: {  	[dreg:$0x4] =	wrdreg $0x54000  }
0xb7: {  	[dreg:$0x5] =	wrdreg $0x9  }
0xb8: {  	_ =	task.clear_ibuf [dreg:s7], $0x6FFFF;
	_ =	strace $0x90000046  }
0xb9: {  	s29 =	simm.s32 $0x9;
	_ =	strace $0x80000048  }
0xba: {  	_ =	swait.ge [sflag:s29], $0x1  }
0xbb: {  	[sflag:s29] =	ssyncadd.s32 $0xFFFFFFFF  }
0xbc: {  	_ =	strace $0x90000048  }
0xbd: {  	_ =	sfence  }
0xbe: {  	s30 =	sld [smem:$0x0];
	_ =	sdelay $0x2  }
0xbf: {  	s31 =	sshll.u32 s1, $0xD;
	s1 =	sshrl.u32 s1, $0x2  }
0xc0: {  	s3 =	sand.u32 $0x4000, s31;
	s1 =	sadd.s32 s1, s30  }
0xc1: {  	s0 =	sor.u32 s3, s0;
	s1 =	sshll.u32 s1, $0x11  }
0xc2: {  	s0 =	sor.u32 s1, s0  }
0xc3: {  	s0 =	sadd.s32 $0x8F2B, s0  }
0xc4: {  	[sflag:s0] =	ssyncadd.remote.s32 $0x1  }
0xc5: {  	_ =	sfence.sel $0xFFFF  }
0xc6: {  	[dreg:$0x0] =	wrdreg $0xFFFFFFFF;
	(pc) =	sbr.abs _section_cstart, $3  }
0xc7: {  	[dreg:$0x1] =	wrdreg $0xFFFFFFFF  }
0xc8: {  	_ =	task.clear_ibuf [dreg:s7], $0x2FFFF;
	_ =	strace $0x9FFFFFFF  }
0xc9: {  	(tm) =	ssettm $0x7FFFFFFF  }
tec
execute0_lowered:
.L_overlay_start_1:
0x0: {  	(tag) =	ssettag $0x1  }
0x1: {  	s5 =	rddreg [dreg:$0x0]  }
0x2: {  	s2 =	rddreg [dreg:$0x1]  }
0x3: {  	s3 =	rddreg [dreg:$0x2];
	s4 =	srdreg.scid  }
0x4: {  	s0 =	rddreg [dreg:$0x3];
	s1 =	stileid.u32  }
0x5: {  	s12 =	simm.s32 $0x1400;
	s13 =	simm.s32 $0x80;
	s14 =	simm.s32 $0x0  }
0x6: {  	s6 =	sand.u32 $0x1, s4;
	s4 =	simm.s32 $0x0;
	s9 =	smul.u32 $0x13C00, s1  }
0x7: {  	s7 =	sshll.u32 s1, $0x1;
	s29 =	smul.u32 $0x4F000, s1;
	s31 =	sshll.u32 s1, $0x6  }
0x8: {  	s8 =	smul.u32 $0x13C000, s6;
	[smem:$0x7FF] =	sst s4;
	s7 =	sor.u32 s6, s7  }
0x9: {  	s6 =	ssub.s32 $0x2, s6;
	_ =	strace $0x80000047;
	s7 =	smul.u32 $0x280, s7  }
0xa: {  	s10 =	sshrl.u32 s6, $0x1;
	s30 =	sshrl.u32 s29, $0x2;
	s8 =	sadd.s32 s9, s8  }
0xb: {  	s10 =	ssub.s32 s6, s10;
	s11 =	sadd.s32 s30, s3;
	s6 =	sor.u32 $0x1C01, s31  }
0xc: {  	s7 =	sadd.s32 s7, s5;
	s8 =	sshrl.u32 s8, $0x3;
	s9 =	smax.u32 s10, $0x1  }
0xd: {  	s10 =	sshrl.u32 s11, $0x3;
	s11 =	simm.s32 $0x1;
	s8 =	sadd.s32 s8, s5  }
0xe: {  	s7 =	sadd.s32 $0x3000, s7;
	s5 =	sadd.s32 $0x8000, s8;
	s8 =	sadd.s32 $0x57000, s8  }
.LBB2_1:
0xf: {  	[hbm:s5], [sflag:s6] =	dma.local [spmem:s10], $0x2780  }
0x10: {  	_ =	swait.ge [sflag:s11], $0x2780  }
0x11: {  	[sflag:s11] =	ssyncset.done $0x0  }
0x12: {  	[sflag:s11] =	ssyncadd.s32 $0xFFFFD880  }
0x13: {  	[tilespmem:s12], [sflag:$0x1] =	stream.linear.gather [hbm4b:s2+s4], $0x4000, $0x38;
	[tilespmem:$0x7B80] =	vst v63  }
0x14: {  	_ =	swait.ge [sflag:s11], $0x4000  }
0x15: {  	[sflag:s11] =	ssyncset.done $0x0  }
0x16: {  	[sflag:s11] =	ssyncadd.s32 $0xFFFFC000  }
0x17: {  	[tilespmem:s4], [sflag:$0x1] =	stream.linear.gather [hbm4b:s7+s4], $0x1400, $0x38;
	[tilespmem:$0x7B80] =	vst v63  }
0x18: {  	_ =	swait.ge [sflag:s11], $0x1400  }
0x19: {  	[sflag:s11] =	ssyncset.done $0x0  }
0x1a: {  	[sflag:s11] =	ssyncadd.s32 $0xFFFFEC00  }
0x1b: {  	s15 =	simm.s32 $0x0;
	[bflag:$0x0] =	sbarrier.arrive $0xFFFF  }
0x1c: {  	[spmem:s3] =	stream.indirect.scatter.add.f32 [tilespmem:s12], [sflag:$0x1], $0x10, s15, s13, $0xb8;
	[tilespmem:$0x7B80] =	vst v63  }
0x1d: {  	_ =	swait.ge [sflag:s11], $0x800  }
0x1e: {  	s15 =	simm.s32 $0x200;
	[sflag:s11] =	ssyncset.done $0x0  }
.LBB2_2:
0x1f: {  	s16 =	sshra.s32 s15, $0x2;
	[sflag:s11] =	ssyncadd.s32 $0xFFFFF800;
	p0 =	sne.s32 s15, $0x4E00  }
0x20: {  	[spmem:s3] =	stream.indirect.scatter.add.f32 [tilespmem:s12], [sflag:$0x1], $0x10, s16, s13, $0xb8;
	[tilespmem:$0x7B80] =	vst v63  }
.Ltmp0:
0x21: {  	_ = 	snop;
	(pc) =	sbr.rel @p0 .LBB2_2-.Ltmp0, $4  }
0x22: {  	_ = 	snop  }
0x23: {  	s15 =	sadd.s32 $0x200, s15  }
0x24: {  	_ =	swait.ge [sflag:s11], $0x800  }
0x25: {  	[sflag:s11] =	ssyncset.done $0x0  }
0x26: {  	s14 =	sadd.s32 $0x1, s14  }
0x27: {  	[sflag:s11] =	ssyncadd.s32 $0xFFFFF800;
	p0 =	sne.s32 s14, s9  }
.Ltmp1:
0x28: {  	[bflag:$0x0] =	sbarrier.arrive $0xFFFF;
	(pc) =	sbr.rel @p0 .LBB2_1-.Ltmp1, $4  }
0x29: {  	[hbm:s8], [sflag:s6] =	dma.local [spmem:s10], $0x2780  }
0x2a: {  	_ =	swait.ge [sflag:s11], $0x2780  }
0x2b: {  	[sflag:s11] =	ssyncset.done $0x0  }
0x2c: {  	[sflag:s11] =	ssyncadd.s32 $0xFFFFD880  }
0x2d: {  	_ =	sfence.sel $0x180000  }
0x2e: {  	[bflag:$0x0] =	sbarrier.arrive $0xFFFF  }
0x2f: {  	p0 =	sne.s32 s1, $0x0;
	_ =	strace $0x90000047  }
0x30: {  	s0 =	sadd.s32 @!p0 $0x100000, s0;
	[bflag:$0x2] =	sbarrier.arrive $0xFFFF  }
0x31: {  	[sflag:s0] =	ssyncadd.tile.s32 @!p0 $0x1;
	_ =	shalt  }
.Lfunc_end2:
_tile_overlayer_lowered:
.L_overlay_start_2:
0x32: {  	(tag) =	ssettag $0x2  }
0x33: {  	s0 =	rddreg [dreg:$0x0];
	s2 =	stileid.u32  }
0x34: {  	s1 =	rddreg [dreg:$0x1];
	p0 =	sne.s32 s2, $0x0  }
0x35: {  	s3 =	rddreg [dreg:$0x2];
	[bflag:$0x3] =	sbarrier.arrive $0xFFFF;
	s2 =	simm.s32 @!p0 $0x1C01  }
0x36: {  	[timem:s3], [sflag:s2] =	dma.local @!p0 [hbm:s0], s1  }
0x37: {  	s0 =	simm.s32 @!p0 $0x1  }
0x38: {  	_ =	swait.ge @!p0 [sflag:s0], s1  }
0x39: {  	s1 =	ssub.s32 @!p0 $0x0, s1;
	[sflag:s0] =	ssyncset.done @!p0 $0x0  }
0x3a: {  	[sflag:s0] =	ssyncadd.s32 @!p0 s1  }
0x3b: {  	[bflag:$0x3] =	sbarrier.arrive $0xFFFF  }
0x3c: {  	_ =	shalt  }

</sc_bundles>
